<compile_context>
chip_gen: v7x
topology: tpu7x:2x2x1
jax: 0.10.2.dev20260603
libtpu: 0.0.44.dev20260713+nightly
codegen_flags: <defaults>
</compile_context>

<pallas_src>
import functools
import jax
import jax.numpy as jnp
from jax import lax
from jax.experimental import pallas as pl
from jax.experimental.pallas import tpu as pltpu
from jax.experimental.pallas import tpu_sc as plsc

NC = 2
NS = 16
NW = NC * NS
CHUNK = 100


def _sc_mesh():
    return plsc.VectorSubcoreMesh(core_axis_name="c", subcore_axis_name="s")


def _stripe_copy(sid, n, src_at, dst_at):
    r_small = (n // NS) // 8 * 8
    r_last = n - r_small * (NS - 1)

    @pl.when(sid < NS - 1)
    def _():
        pltpu.sync_copy(src_at(sid * r_small, r_small),
                        dst_at(sid * r_small, r_small))

    @pl.when(sid == NS - 1)
    def _():
        pltpu.sync_copy(src_at((NS - 1) * r_small, r_last),
                        dst_at((NS - 1) * r_small, r_last))


GK = 3
GKD = 8


@functools.partial(jax.jit, static_argnames=("n", "e", "d", "gather"))
def _edge_aggregate(src, dst, table, ones, zeros, *, n, e, d, gather=True):
    per_w = e // NW
    nchunks = per_w // CHUNK

    src3 = src.reshape(NW, nchunks, CHUNK)
    dst3 = dst.reshape(NW, nchunks, CHUNK)

    gk = GK if gather else GKD
    ngroups = nchunks // gk
    ntail = nchunks - ngroups * gk

    if gather:
        bufs_scratch = (
            [pltpu.VMEM((CHUNK, d), jnp.float32) for _ in range(gk)]
            + [pltpu.VMEM((CHUNK,), jnp.int32) for _ in range(2 * gk)]
            + [pltpu.SemaphoreType.DMA for _ in range(3 * gk)]
        )
    else:
        bufs_scratch = (
            [pltpu.VMEM((CHUNK, d), jnp.float32)]
            + [pltpu.VMEM((CHUNK,), jnp.int32) for _ in range(gk)]
            + [pltpu.SemaphoreType.DMA for _ in range(2 * gk)]
        )

    @functools.partial(
        pl.kernel,
        out_type=jax.ShapeDtypeStruct((NC, n, d), jnp.float32),
        mesh=_sc_mesh(),
        scratch_types=[pltpu.VMEM_SHARED((n, d), jnp.float32)] + bufs_scratch,
    )
    def k(src_hbm, dst_hbm, table_hbm, ones_hbm, z_hbm, out_hbm, agg_sh, *bufs):
        cid = lax.axis_index("c")
        sid = lax.axis_index("s")
        wid = cid * NS + sid
        _stripe_copy(sid, n, lambda o, s: z_hbm.at[pl.ds(o, s)],
                     lambda o, s: agg_sh.at[pl.ds(o, s)])

        if gather:
            rows = bufs[:gk]
            sidx = bufs[gk:2 * gk]
            didx = bufs[2 * gk:3 * gk]
            isem = bufs[3 * gk:4 * gk]
            gsem = bufs[4 * gk:5 * gk]
            ssem = bufs[5 * gk:6 * gk]
            plsc.subcore_barrier()

            def group(c0, m):
                iw = []
                for t in range(m):
                    iw.append(pltpu.async_copy(src_hbm.at[wid, c0 + t],
                                               sidx[t], isem[t]))
                    iw.append(pltpu.async_copy(dst_hbm.at[wid, c0 + t],
                                               didx[t], isem[t]))
                gw = []
                for t in range(m):
                    iw[2 * t].wait()
                    gw.append(pltpu.async_copy(table_hbm.at[sidx[t]],
                                               rows[t], gsem[t]))
                sw = []
                for t in range(m):
                    gw[t].wait()
                    iw[2 * t + 1].wait()
                    sw.append(pltpu.async_copy(rows[t], agg_sh.at[didx[t]],
                                               ssem[t], add=True))
                for t in range(m):
                    sw[t].wait()

            def body(g, carry):
                group(g * gk, gk)
                return carry

            lax.fori_loop(0, ngroups, body, 0)
            if ntail:
                group(ngroups * gk, ntail)
        else:
            rows0 = bufs[0]
            didx = bufs[1:1 + gk]
            isem = bufs[1 + gk:1 + 2 * gk]
            ssem = bufs[1 + 2 * gk:]
            pltpu.sync_copy(ones_hbm, rows0)
            plsc.subcore_barrier()

            def group(c0, m):
                iw = []
                for t in range(m):
                    iw.append(pltpu.async_copy(dst_hbm.at[wid, c0 + t],
                                               didx[t], isem[t]))
                sw = []
                for t in range(m):
                    iw[t].wait()
                    sw.append(pltpu.async_copy(rows0, agg_sh.at[didx[t]],
                                               ssem[t], add=True))
                for t in range(m):
                    sw[t].wait()

            def body(g, carry):
                group(g * gk, gk)
                return carry

            lax.fori_loop(0, ngroups, body, 0)
            if ntail:
                group(ngroups * gk, ntail)

        plsc.subcore_barrier()
        _stripe_copy(sid, n, lambda o, s: agg_sh.at[pl.ds(o, s)],
                     lambda o, s: out_hbm.at[cid, pl.ds(o, s)])

    return k(src3, dst3, table, ones, zeros)


def _deg_dinv(degp_ref):
    deg = degp_ref[0, :, 0:1] + degp_ref[1, :, 0:1] + 1.0
    return deg, lax.rsqrt(deg)


def _tc_mm(x, W, *, n, d, r):

    def body(x_ref, w_ref, t_ref):
        t_ref[...] = jnp.dot(x_ref[...], w_ref[...],
                             preferred_element_type=jnp.float32)

    return pl.pallas_call(
        body,
        grid=(n // r,),
        in_specs=[
            pl.BlockSpec((r, d), lambda i: (i, 0)),
            pl.BlockSpec((d, d), lambda i: (0, 0)),
        ],
        out_specs=pl.BlockSpec((r, d), lambda i: (i, 0)),
        out_shape=jax.ShapeDtypeStruct((n, d), jnp.float32),
    )(x, W)


def _tc_scale(t, degp, *, n, d, r):

    def body(t_ref, degp_ref, ts_ref, tself_ref):
        deg, dinv = _deg_dinv(degp_ref)
        t = t_ref[...]
        ts_ref[...] = t * dinv
        tself_ref[...] = t / deg

    return pl.pallas_call(
        body,
        grid=(n // r,),
        in_specs=[
            pl.BlockSpec((r, d), lambda i: (i, 0)),
            pl.BlockSpec((NC, r, d), lambda i: (0, i, 0)),
        ],
        out_specs=[pl.BlockSpec((r, d), lambda i: (i, 0))] * 2,
        out_shape=[jax.ShapeDtypeStruct((n, d), jnp.float32)] * 2,
    )(t, degp)


def _tc_mid(aggp, tself1, degp, b1, W2, *, n, d, r):

    def body(aggp_ref, tself_ref, degp_ref, b_ref, w_ref, ts_ref, tself2_ref):
        deg, dinv = _deg_dinv(degp_ref)
        agg = aggp_ref[0] + aggp_ref[1]
        h1 = jnp.maximum(agg * dinv + tself_ref[...] + b_ref[...], 0.0)
        t2 = jnp.dot(h1, w_ref[...], preferred_element_type=jnp.float32)
        ts_ref[...] = t2 * dinv
        tself2_ref[...] = t2 / deg

    return pl.pallas_call(
        body,
        grid=(n // r,),
        in_specs=[
            pl.BlockSpec((NC, r, d), lambda i: (0, i, 0)),
            pl.BlockSpec((r, d), lambda i: (i, 0)),
            pl.BlockSpec((NC, r, d), lambda i: (0, i, 0)),
            pl.BlockSpec((1, d), lambda i: (0, 0)),
            pl.BlockSpec((d, d), lambda i: (0, 0)),
        ],
        out_specs=[pl.BlockSpec((r, d), lambda i: (i, 0))] * 2,
        out_shape=[jax.ShapeDtypeStruct((n, d), jnp.float32)] * 2,
    )(aggp, tself1, degp, b1, W2)


def _tc_post(aggp, tself2, degp, b2, M1, bm1, M2, bm2, *, n, d, r):

    def body(aggp_ref, tself_ref, degp_ref, b2_ref, m1_ref, bm1_ref, m2_ref,
             bm2_ref, out_ref):
        _, dinv = _deg_dinv(degp_ref)
        agg = aggp_ref[0] + aggp_ref[1]
        h2 = agg * dinv + tself_ref[...] + b2_ref[...]
        h3 = jnp.maximum(
            jnp.dot(h2, m1_ref[...], preferred_element_type=jnp.float32)
            + bm1_ref[...], 0.0)
        out_ref[...] = jnp.dot(
            h3, m2_ref[...], preferred_element_type=jnp.float32) + bm2_ref[...]

    return pl.pallas_call(
        body,
        grid=(n // r,),
        in_specs=[
            pl.BlockSpec((NC, r, d), lambda i: (0, i, 0)),
            pl.BlockSpec((r, d), lambda i: (i, 0)),
            pl.BlockSpec((NC, r, d), lambda i: (0, i, 0)),
            pl.BlockSpec((1, d), lambda i: (0, 0)),
            pl.BlockSpec((d, d), lambda i: (0, 0)),
            pl.BlockSpec((1, d), lambda i: (0, 0)),
            pl.BlockSpec((d, d), lambda i: (0, 0)),
            pl.BlockSpec((1, d), lambda i: (0, 0)),
        ],
        out_specs=pl.BlockSpec((r, d), lambda i: (i, 0)),
        out_shape=jax.ShapeDtypeStruct((n, d), jnp.float32),
    )(aggp, tself2, degp, b2, M1, bm1, M2, bm2)


def kernel(x, edge_index, W1, b1, W2, b2, M1, bm1, M2, bm2):
    n, d = x.shape
    e = edge_index.shape[1]
    assert e % (NW * CHUNK) == 0 and n % NS == 0 and n % 8 == 0

    src = edge_index[0]
    dst = edge_index[1]
    zeros = jnp.zeros((n, d), jnp.float32)
    ones = jnp.ones((CHUNK, d), jnp.float32)
    r = 5000 if n % 5000 == 0 else 8

    t1 = _tc_mm(x, W1, n=n, d=d, r=r)
    degp = _edge_aggregate(src, dst, ones, ones, zeros, n=n, e=e, d=d,
                           gather=False)
    ts1, tself1 = _tc_scale(t1, degp, n=n, d=d, r=r)
    agg1 = _edge_aggregate(src, dst, ts1, ones, zeros, n=n, e=e, d=d)
    ts2, tself2 = _tc_mid(agg1, tself1, degp, b1.reshape(1, d), W2, n=n, d=d, r=r)
    agg2 = _edge_aggregate(src, dst, ts2, ones, zeros, n=n, e=e, d=d)
    return _tc_post(agg2, tself2, degp, b2.reshape(1, d), M1, bm1.reshape(1, d),
                    M2, bm2.reshape(1, d), n=n, d=d, r=r)

# --- scband reference (transcript-rebuilt; emitter-appended) ---
"""Pipeline reference for scband-gnn-mlp-89644557403159 (READ-ONLY COPY).

The authoritative reference and input builder live on the scoring server;
editing this copy changes nothing except your own understanding.
"""

import jax, jax.numpy as jnp
import numpy as np

N = 10000
E = 320000
D = 128

def setup_inputs(seed: int = 0):
    key = jax.random.key(seed)
    ks = jax.random.split(key, 12)
    s = 1.0 / np.sqrt(D)
    inp = {}
    inp['x'] = jax.random.normal(ks[0], (N, D), dtype=jnp.float32)
    inp['edge_index'] = jax.random.randint(ks[1], (2, E), 0, N, dtype=jnp.int32)
    # GCN encoder weights (2 layers, hid=in_channels=128)
    inp['W1'] = jax.random.normal(ks[2], (D, D), dtype=jnp.float32) * s
    inp['b1'] = jnp.zeros((D,), dtype=jnp.float32)
    inp['W2'] = jax.random.normal(ks[3], (D, D), dtype=jnp.float32) * s
    inp['b2'] = jnp.zeros((D,), dtype=jnp.float32)
    # MLP head weights (2 layers, hid=128 -> out=128)
    inp['M1'] = jax.random.normal(ks[4], (D, D), dtype=jnp.float32) * s
    inp['bm1'] = jnp.zeros((D,), dtype=jnp.float32)
    inp['M2'] = jax.random.normal(ks[5], (D, D), dtype=jnp.float32) * s
    inp['bm2'] = jnp.zeros((D,), dtype=jnp.float32)
    return inp

def reference(x, edge_index, W1, b1, W2, b2, M1, bm1, M2, bm2):
    src = edge_index[0]
    dst = edge_index[1]
    n = x.shape[0]
    # degrees with self-loops (standard GCN normalization)
    deg = jnp.zeros((n,), dtype=x.dtype).at[dst].add(1.0) + 1.0
    dinv = jax.lax.rsqrt(deg)
    norm = dinv[src] * dinv[dst]

    def gcn_conv(h, W, b):
        h = h @ W
        agg = jnp.zeros_like(h).at[dst].add(h[src] * norm[:, None])
        agg = agg + h * (1.0 / deg)[:, None]  # self-loop contribution
        return agg + b

    # GCNEncoder: conv1 -> relu -> (dropout eval: identity) -> conv2
    h = jax.nn.relu(gcn_conv(x, W1, b1))
    h = gcn_conv(h, W2, b2)
    # MultiLayerPerceptron (n_layers=2): linear -> relu -> linear
    h = jax.nn.relu(h @ M1 + bm1)
    h = h @ M2 + bm2
    return h

if __name__ == "__main__":
    import jax
    _d = setup_inputs()
    print(jax.jit(kernel)(*tuple(_d.values())))

</pallas_src>

<mosaic_0001>
#map = affine_map<(d0, d1) -> (0, 0, 0)>
#map1 = affine_map<(d0, d1) -> (0, 0)>
module attributes {stable_mosaic.version = 14 : i64} {
  func.func @k(%arg0: i32, %arg1: i32, %arg2: memref<32x100x100xi32, #tpu.memory_space<hbm>>, %arg3: memref<32x100x100xi32, #tpu.memory_space<hbm>>, %arg4: memref<100x128xf32, #tpu.memory_space<hbm>>, %arg5: memref<100x128xf32, #tpu.memory_space<hbm>>, %arg6: memref<10000x128xf32, #tpu.memory_space<hbm>>, %arg7: memref<2x10000x128xf32, #tpu.memory_space<hbm>>, %arg8: memref<10000x128xf32, #tpu.memory_space<vmem_shared>>, %arg9: memref<100x128xf32, #tpu.memory_space<vmem>>, %arg10: memref<100xi32, #tpu.memory_space<vmem>>, %arg11: memref<100xi32, #tpu.memory_space<vmem>>, %arg12: memref<100xi32, #tpu.memory_space<vmem>>, %arg13: memref<100xi32, #tpu.memory_space<vmem>>, %arg14: memref<100xi32, #tpu.memory_space<vmem>>, %arg15: memref<100xi32, #tpu.memory_space<vmem>>, %arg16: memref<100xi32, #tpu.memory_space<vmem>>, %arg17: memref<100xi32, #tpu.memory_space<vmem>>, %arg18: memref<!tpu.dma_semaphore, #tpu.memory_space<semaphore_mem>>, %arg19: memref<!tpu.dma_semaphore, #tpu.memory_space<semaphore_mem>>, %arg20: memref<!tpu.dma_semaphore, #tpu.memory_space<semaphore_mem>>, %arg21: memref<!tpu.dma_semaphore, #tpu.memory_space<semaphore_mem>>, %arg22: memref<!tpu.dma_semaphore, #tpu.memory_space<semaphore_mem>>, %arg23: memref<!tpu.dma_semaphore, #tpu.memory_space<semaphore_mem>>, %arg24: memref<!tpu.dma_semaphore, #tpu.memory_space<semaphore_mem>>, %arg25: memref<!tpu.dma_semaphore, #tpu.memory_space<semaphore_mem>>, %arg26: memref<!tpu.dma_semaphore, #tpu.memory_space<semaphore_mem>>, %arg27: memref<!tpu.dma_semaphore, #tpu.memory_space<semaphore_mem>>, %arg28: memref<!tpu.dma_semaphore, #tpu.memory_space<semaphore_mem>>, %arg29: memref<!tpu.dma_semaphore, #tpu.memory_space<semaphore_mem>>, %arg30: memref<!tpu.dma_semaphore, #tpu.memory_space<semaphore_mem>>, %arg31: memref<!tpu.dma_semaphore, #tpu.memory_space<semaphore_mem>>, %arg32: memref<!tpu.dma_semaphore, #tpu.memory_space<semaphore_mem>>, %arg33: memref<!tpu.dma_semaphore, #tpu.memory_space<semaphore_mem>>) attributes {dimension_semantics = [#tpu.dimension_semantics<core_parallel>, #tpu.dimension_semantics<subcore_parallel>], iteration_bounds = array<i64: 2, 16>, scalar_prefetch = 0 : i64, scratch_operands = 26 : i64, tpu.core_type = #tpu.core_type<sc_vector_subcore>, window_params = [{transform_indices = #map}, {transform_indices = #map}, {transform_indices = #map1}, {transform_indices = #map1}, {transform_indices = #map1}, {transform_indices = #map}]} {
    %mul3A = arith.constant 16 : i32
    %mul3A_0 = arith.muli %arg0, %mul3A : i32
    %add3A = arith.addi %mul3A_0, %arg1 : i32
    %lt3A = arith.constant 15 : i32
    %lt3A_1 = arith.cmpi slt, %arg1, %lt3A : i32
    %convert_element_type3A = arith.extui %lt3A_1 : i1 to i32
    %cond3A = arith.constant 0 : i32
    %cond3A_2 = arith.cmpi ne, %convert_element_type3A, %cond3A : i32
    scf.if %cond3A_2 {
      %mul3A_101 = arith.constant 624 : i32
      %mul3A_102 = arith.muli %arg1, %mul3A_101 : i32
      %mul3A_103 = arith.constant 624 : i32
      %mul3A_104 = arith.muli %arg1, %mul3A_103 : i32
      "tpu.region"() ({
        %run_scoped3A = tpu.sem_alloc : memref<!tpu.dma_semaphore, #tpu.memory_space<semaphore_mem>>
        %dma_start3A_105 = arith.constant 0 : i32
        %dma_start3A_106 = tpu.memref_slice %arg8[%mul3A_104, %dma_start3A_105] : memref<10000x128xf32, #tpu.memory_space<vmem_shared>> -> memref<624x128xf32, #tpu.memory_space<vmem_shared>>
        %dma_start3A_107 = arith.constant 0 : i32
        %dma_start3A_108 = tpu.memref_slice %arg6[%mul3A_102, %dma_start3A_107] : memref<10000x128xf32, #tpu.memory_space<hbm>> -> memref<624x128xf32, #tpu.memory_space<hbm>>
        tpu.enqueue_dma source(%dma_start3A_108 : memref<624x128xf32, #tpu.memory_space<hbm>>) target(%dma_start3A_106 : memref<624x128xf32, #tpu.memory_space<vmem_shared>>) target_semaphore(%run_scoped3A : memref<!tpu.dma_semaphore, #tpu.memory_space<semaphore_mem>>)
        %dma_wait3A_109 = arith.constant 0 : i32
        %dma_wait3A_110 = tpu.memref_slice %arg8[%mul3A_104, %dma_wait3A_109] : memref<10000x128xf32, #tpu.memory_space<vmem_shared>> -> memref<624x128xf32, #tpu.memory_space<vmem_shared>>
        %dma_wait3A_111 = arith.constant 0 : i32
        %dma_wait3A_112 = tpu.memref_slice %arg6[%mul3A_102, %dma_wait3A_111] : memref<10000x128xf32, #tpu.memory_space<hbm>> -> memref<624x128xf32, #tpu.memory_space<hbm>>
        tpu.wait_dma2 semaphore(%run_scoped3A : memref<!tpu.dma_semaphore, #tpu.memory_space<semaphore_mem>>) src(%dma_wait3A_112 : memref<624x128xf32, #tpu.memory_space<hbm>>) dst(%dma_wait3A_110 : memref<624x128xf32, #tpu.memory_space<vmem_shared>>)
        tpu.yield
      }) : () -> ()
    } else {
    }
    %eq3A = arith.constant 15 : i32
    %eq3A_3 = arith.cmpi eq, %arg1, %eq3A : i32
    %convert_element_type3A_4 = arith.extui %eq3A_3 : i1 to i32
    %cond3A_5 = arith.constant 0 : i32
    %cond3A_6 = arith.cmpi ne, %convert_element_type3A_4, %cond3A_5 : i32
    scf.if %cond3A_6 {
      "tpu.region"() ({
        %run_scoped3A = tpu.sem_alloc : memref<!tpu.dma_semaphore, #tpu.memory_space<semaphore_mem>>
        %dma_start3A_101 = arith.constant 9360 : i32
        %dma_start3A_102 = arith.constant 0 : i32
        %dma_start3A_103 = tpu.memref_slice %arg8[%dma_start3A_101, %dma_start3A_102] : memref<10000x128xf32, #tpu.memory_space<vmem_shared>> -> memref<640x128xf32, #tpu.memory_space<vmem_shared>>
        %dma_start3A_104 = arith.constant 9360 : i32
        %dma_start3A_105 = arith.constant 0 : i32
        %dma_start3A_106 = tpu.memref_slice %arg6[%dma_start3A_104, %dma_start3A_105] : memref<10000x128xf32, #tpu.memory_space<hbm>> -> memref<640x128xf32, #tpu.memory_space<hbm>>
        tpu.enqueue_dma source(%dma_start3A_106 : memref<640x128xf32, #tpu.memory_space<hbm>>) target(%dma_start3A_103 : memref<640x128xf32, #tpu.memory_space<vmem_shared>>) target_semaphore(%run_scoped3A : memref<!tpu.dma_semaphore, #tpu.memory_space<semaphore_mem>>)
        %dma_wait3A_107 = arith.constant 9360 : i32
        %dma_wait3A_108 = arith.constant 0 : i32
        %dma_wait3A_109 = tpu.memref_slice %arg8[%dma_wait3A_107, %dma_wait3A_108] : memref<10000x128xf32, #tpu.memory_space<vmem_shared>> -> memref<640x128xf32, #tpu.memory_space<vmem_shared>>
        %dma_wait3A_110 = arith.constant 9360 : i32
        %dma_wait3A_111 = arith.constant 0 : i32
        %dma_wait3A_112 = tpu.memref_slice %arg6[%dma_wait3A_110, %dma_wait3A_111] : memref<10000x128xf32, #tpu.memory_space<hbm>> -> memref<640x128xf32, #tpu.memory_space<hbm>>
        tpu.wait_dma2 semaphore(%run_scoped3A : memref<!tpu.dma_semaphore, #tpu.memory_space<semaphore_mem>>) src(%dma_wait3A_112 : memref<640x128xf32, #tpu.memory_space<hbm>>) dst(%dma_wait3A_109 : memref<640x128xf32, #tpu.memory_space<vmem_shared>>)
        tpu.yield
      }) : () -> ()
    } else {
    }
    "tpu.region"() ({
      %run_scoped3A = tpu.sem_alloc : memref<!tpu.dma_semaphore, #tpu.memory_space<semaphore_mem>>
      tpu.enqueue_dma source(%arg5 : memref<100x128xf32, #tpu.memory_space<hbm>>) target(%arg9 : memref<100x128xf32, #tpu.memory_space<vmem>>) target_semaphore(%run_scoped3A : memref<!tpu.dma_semaphore, #tpu.memory_space<semaphore_mem>>)
      tpu.wait_dma2 semaphore(%run_scoped3A : memref<!tpu.dma_semaphore, #tpu.memory_space<semaphore_mem>>) src(%arg5 : memref<100x128xf32, #tpu.memory_space<hbm>>) dst(%arg9 : memref<100x128xf32, #tpu.memory_space<vmem>>)
      tpu.yield
    }) : () -> ()
    %barrier3A = arith.constant 0 : index
    tpu.barrier barrier_id(%barrier3A)
    %scan3A = arith.constant 0 : i32
    %scan3A_7 = arith.constant 0 : i32
    %scan3A_8 = arith.constant 12 : i32
    %scan3A_9 = arith.addi %scan3A_7, %scan3A_8 : i32
    %scan3A_10 = arith.constant 1 : i32
    scf.for %scan3A_101 = %scan3A_7 to %scan3A_9 step %scan3A_10  : i32 {
      %mul3A_102 = arith.constant 8 : i32
      %mul3A_103 = arith.muli %scan3A_101, %mul3A_102 : i32
      %add3A_104 = arith.constant 0 : i32
      %add3A_105 = arith.addi %mul3A_103, %add3A_104 : i32
      %dma_start3A_106 = arith.constant 0 : i32
      %dma_start3A_107 = tpu.memref_slice %arg3[%add3A, %add3A_105, %dma_start3A_106] : memref<32x100x100xi32, #tpu.memory_space<hbm>> -> memref<1x1x100xi32, #tpu.memory_space<hbm>>
      %dma_start3A_108 = tpu.memref_squeeze %dma_start3A_107 : memref<1x1x100xi32, #tpu.memory_space<hbm>> -> memref<100xi32, #tpu.memory_space<hbm>>
      %dma_start3A_109 = arith.constant 0 : i32
      %dma_start3A_110 = tpu.memref_slice %arg3[%add3A, %add3A_105, %dma_start3A_109] : memref<32x100x100xi32, #tpu.memory_space<hbm>> -> memref<1x1x100xi32, #tpu.memory_space<hbm>>
      %dma_start3A_111 = tpu.memref_squeeze %dma_start3A_110 : memref<1x1x100xi32, #tpu.memory_space<hbm>> -> memref<100xi32, #tpu.memory_space<hbm>>
      tpu.enqueue_dma source(%dma_start3A_111 : memref<100xi32, #tpu.memory_space<hbm>>) target(%arg10 : memref<100xi32, #tpu.memory_space<vmem>>) target_semaphore(%arg18 : memref<!tpu.dma_semaphore, #tpu.memory_space<semaphore_mem>>)
      %add3A_112 = arith.constant 1 : i32
      %add3A_113 = arith.addi %mul3A_103, %add3A_112 : i32
      %dma_start3A_114 = arith.constant 0 : i32
      %dma_start3A_115 = tpu.memref_slice %arg3[%add3A, %add3A_113, %dma_start3A_114] : memref<32x100x100xi32, #tpu.memory_space<hbm>> -> memref<1x1x100xi32, #tpu.memory_space<hbm>>
      %dma_start3A_116 = tpu.memref_squeeze %dma_start3A_115 : memref<1x1x100xi32, #tpu.memory_space<hbm>> -> memref<100xi32, #tpu.memory_space<hbm>>
      %dma_start3A_117 = arith.constant 0 : i32
      %dma_start3A_118 = tpu.memref_slice %arg3[%add3A, %add3A_113, %dma_start3A_117] : memref<32x100x100xi32, #tpu.memory_space<hbm>> -> memref<1x1x100xi32, #tpu.memory_space<hbm>>
      %dma_start3A_119 = tpu.memref_squeeze %dma_start3A_118 : memref<1x1x100xi32, #tpu.memory_space<hbm>> -> memref<100xi32, #tpu.memory_space<hbm>>
      tpu.enqueue_dma source(%dma_start3A_119 : memref<100xi32, #tpu.memory_space<hbm>>) target(%arg11 : memref<100xi32, #tpu.memory_space<vmem>>) target_semaphore(%arg19 : memref<!tpu.dma_semaphore, #tpu.memory_space<semaphore_mem>>)
      %add3A_120 = arith.constant 2 : i32
      %add3A_121 = arith.addi %mul3A_103, %add3A_120 : i32
      %dma_start3A_122 = arith.constant 0 : i32
      %dma_start3A_123 = tpu.memref_slice %arg3[%add3A, %add3A_121, %dma_start3A_122] : memref<32x100x100xi32, #tpu.memory_space<hbm>> -> memref<1x1x100xi32, #tpu.memory_space<hbm>>
      %dma_start3A_124 = tpu.memref_squeeze %dma_start3A_123 : memref<1x1x100xi32, #tpu.memory_space<hbm>> -> memref<100xi32, #tpu.memory_space<hbm>>
      %dma_start3A_125 = arith.constant 0 : i32
      %dma_start3A_126 = tpu.memref_slice %arg3[%add3A, %add3A_121, %dma_start3A_125] : memref<32x100x100xi32, #tpu.memory_space<hbm>> -> memref<1x1x100xi32, #tpu.memory_space<hbm>>
      %dma_start3A_127 = tpu.memref_squeeze %dma_start3A_126 : memref<1x1x100xi32, #tpu.memory_space<hbm>> -> memref<100xi32, #tpu.memory_space<hbm>>
      tpu.enqueue_dma source(%dma_start3A_127 : memref<100xi32, #tpu.memory_space<hbm>>) target(%arg12 : memref<100xi32, #tpu.memory_space<vmem>>) target_semaphore(%arg20 : memref<!tpu.dma_semaphore, #tpu.memory_space<semaphore_mem>>)
      %add3A_128 = arith.constant 3 : i32
      %add3A_129 = arith.addi %mul3A_103, %add3A_128 : i32
      %dma_start3A_130 = arith.constant 0 : i32
      %dma_start3A_131 = tpu.memref_slice %arg3[%add3A, %add3A_129, %dma_start3A_130] : memref<32x100x100xi32, #tpu.memory_space<hbm>> -> memref<1x1x100xi32, #tpu.memory_space<hbm>>
      %dma_start3A_132 = tpu.memref_squeeze %dma_start3A_131 : memref<1x1x100xi32, #tpu.memory_space<hbm>> -> memref<100xi32, #tpu.memory_space<hbm>>
      %dma_start3A_133 = arith.constant 0 : i32
      %dma_start3A_134 = tpu.memref_slice %arg3[%add3A, %add3A_129, %dma_start3A_133] : memref<32x100x100xi32, #tpu.memory_space<hbm>> -> memref<1x1x100xi32, #tpu.memory_space<hbm>>
      %dma_start3A_135 = tpu.memref_squeeze %dma_start3A_134 : memref<1x1x100xi32, #tpu.memory_space<hbm>> -> memref<100xi32, #tpu.memory_space<hbm>>
      tpu.enqueue_dma source(%dma_start3A_135 : memref<100xi32, #tpu.memory_space<hbm>>) target(%arg13 : memref<100xi32, #tpu.memory_space<vmem>>) target_semaphore(%arg21 : memref<!tpu.dma_semaphore, #tpu.memory_space<semaphore_mem>>)
      %add3A_136 = arith.constant 4 : i32
      %add3A_137 = arith.addi %mul3A_103, %add3A_136 : i32
      %dma_start3A_138 = arith.constant 0 : i32
      %dma_start3A_139 = tpu.memref_slice %arg3[%add3A, %add3A_137, %dma_start3A_138] : memref<32x100x100xi32, #tpu.memory_space<hbm>> -> memref<1x1x100xi32, #tpu.memory_space<hbm>>
      %dma_start3A_140 = tpu.memref_squeeze %dma_start3A_139 : memref<1x1x100xi32, #tpu.memory_space<hbm>> -> memref<100xi32, #tpu.memory_space<hbm>>
      %dma_start3A_141 = arith.constant 0 : i32
      %dma_start3A_142 = tpu.memref_slice %arg3[%add3A, %add3A_137, %dma_start3A_141] : memref<32x100x100xi32, #tpu.memory_space<hbm>> -> memref<1x1x100xi32, #tpu.memory_space<hbm>>
      %dma_start3A_143 = tpu.memref_squeeze %dma_start3A_142 : memref<1x1x100xi32, #tpu.memory_space<hbm>> -> memref<100xi32, #tpu.memory_space<hbm>>
      tpu.enqueue_dma source(%dma_start3A_143 : memref<100xi32, #tpu.memory_space<hbm>>) target(%arg14 : memref<100xi32, #tpu.memory_space<vmem>>) target_semaphore(%arg22 : memref<!tpu.dma_semaphore, #tpu.memory_space<semaphore_mem>>)
      %add3A_144 = arith.constant 5 : i32
      %add3A_145 = arith.addi %mul3A_103, %add3A_144 : i32
      %dma_start3A_146 = arith.constant 0 : i32
      %dma_start3A_147 = tpu.memref_slice %arg3[%add3A, %add3A_145, %dma_start3A_146] : memref<32x100x100xi32, #tpu.memory_space<hbm>> -> memref<1x1x100xi32, #tpu.memory_space<hbm>>
      %dma_start3A_148 = tpu.memref_squeeze %dma_start3A_147 : memref<1x1x100xi32, #tpu.memory_space<hbm>> -> memref<100xi32, #tpu.memory_space<hbm>>
      %dma_start3A_149 = arith.constant 0 : i32
      %dma_start3A_150 = tpu.memref_slice %arg3[%add3A, %add3A_145, %dma_start3A_149] : memref<32x100x100xi32, #tpu.memory_space<hbm>> -> memref<1x1x100xi32, #tpu.memory_space<hbm>>
      %dma_start3A_151 = tpu.memref_squeeze %dma_start3A_150 : memref<1x1x100xi32, #tpu.memory_space<hbm>> -> memref<100xi32, #tpu.memory_space<hbm>>
      tpu.enqueue_dma source(%dma_start3A_151 : memref<100xi32, #tpu.memory_space<hbm>>) target(%arg15 : memref<100xi32, #tpu.memory_space<vmem>>) target_semaphore(%arg23 : memref<!tpu.dma_semaphore, #tpu.memory_space<semaphore_mem>>)
      %add3A_152 = arith.constant 6 : i32
      %add3A_153 = arith.addi %mul3A_103, %add3A_152 : i32
      %dma_start3A_154 = arith.constant 0 : i32
      %dma_start3A_155 = tpu.memref_slice %arg3[%add3A, %add3A_153, %dma_start3A_154] : memref<32x100x100xi32, #tpu.memory_space<hbm>> -> memref<1x1x100xi32, #tpu.memory_space<hbm>>
      %dma_start3A_156 = tpu.memref_squeeze %dma_start3A_155 : memref<1x1x100xi32, #tpu.memory_space<hbm>> -> memref<100xi32, #tpu.memory_space<hbm>>
      %dma_start3A_157 = arith.constant 0 : i32
      %dma_start3A_158 = tpu.memref_slice %arg3[%add3A, %add3A_153, %dma_start3A_157] : memref<32x100x100xi32, #tpu.memory_space<hbm>> -> memref<1x1x100xi32, #tpu.memory_space<hbm>>
      %dma_start3A_159 = tpu.memref_squeeze %dma_start3A_158 : memref<1x1x100xi32, #tpu.memory_space<hbm>> -> memref<100xi32, #tpu.memory_space<hbm>>
      tpu.enqueue_dma source(%dma_start3A_159 : memref<100xi32, #tpu.memory_space<hbm>>) target(%arg16 : memref<100xi32, #tpu.memory_space<vmem>>) target_semaphore(%arg24 : memref<!tpu.dma_semaphore, #tpu.memory_space<semaphore_mem>>)
      %add3A_160 = arith.constant 7 : i32
      %add3A_161 = arith.addi %mul3A_103, %add3A_160 : i32
      %dma_start3A_162 = arith.constant 0 : i32
      %dma_start3A_163 = tpu.memref_slice %arg3[%add3A, %add3A_161, %dma_start3A_162] : memref<32x100x100xi32, #tpu.memory_space<hbm>> -> memref<1x1x100xi32, #tpu.memory_space<hbm>>
      %dma_start3A_164 = tpu.memref_squeeze %dma_start3A_163 : memref<1x1x100xi32, #tpu.memory_space<hbm>> -> memref<100xi32, #tpu.memory_space<hbm>>
      %dma_start3A_165 = arith.constant 0 : i32
      %dma_start3A_166 = tpu.memref_slice %arg3[%add3A, %add3A_161, %dma_start3A_165] : memref<32x100x100xi32, #tpu.memory_space<hbm>> -> memref<1x1x100xi32, #tpu.memory_space<hbm>>
      %dma_start3A_167 = tpu.memref_squeeze %dma_start3A_166 : memref<1x1x100xi32, #tpu.memory_space<hbm>> -> memref<100xi32, #tpu.memory_space<hbm>>
      tpu.enqueue_dma source(%dma_start3A_167 : memref<100xi32, #tpu.memory_space<hbm>>) target(%arg17 : memref<100xi32, #tpu.memory_space<vmem>>) target_semaphore(%arg25 : memref<!tpu.dma_semaphore, #tpu.memory_space<semaphore_mem>>)
      %dma_wait3A_168 = arith.constant 0 : i32
      %dma_wait3A_169 = tpu.memref_slice %arg3[%add3A, %add3A_105, %dma_wait3A_168] : memref<32x100x100xi32, #tpu.memory_space<hbm>> -> memref<1x1x100xi32, #tpu.memory_space<hbm>>
      %dma_wait3A_170 = tpu.memref_squeeze %dma_wait3A_169 : memref<1x1x100xi32, #tpu.memory_space<hbm>> -> memref<100xi32, #tpu.memory_space<hbm>>
      %dma_wait3A_171 = arith.constant 0 : i32
      %dma_wait3A_172 = tpu.memref_slice %arg3[%add3A, %add3A_105, %dma_wait3A_171] : memref<32x100x100xi32, #tpu.memory_space<hbm>> -> memref<1x1x100xi32, #tpu.memory_space<hbm>>
      %dma_wait3A_173 = tpu.memref_squeeze %dma_wait3A_172 : memref<1x1x100xi32, #tpu.memory_space<hbm>> -> memref<100xi32, #tpu.memory_space<hbm>>
      tpu.wait_dma2 semaphore(%arg18 : memref<!tpu.dma_semaphore, #tpu.memory_space<semaphore_mem>>) src(%dma_wait3A_173 : memref<100xi32, #tpu.memory_space<hbm>>) dst(%arg10 : memref<100xi32, #tpu.memory_space<vmem>>)
      %dma_start3A_174 = arith.constant 0 : i32
      %dma_start3A_175 = arith.constant 0 : i32
      %dma_start3A_176 = tpu.memref_slice %arg8[%dma_start3A_174, %dma_start3A_175] : memref<10000x128xf32, #tpu.memory_space<vmem_shared>> -> memref<10000x128xf32, #tpu.memory_space<vmem_shared>>
      tpu.enqueue_indirect_dma source(%arg9 : memref<100x128xf32, #tpu.memory_space<vmem>>) target(%dma_start3A_176 : memref<10000x128xf32, #tpu.memory_space<vmem_shared>>) offsets(%arg10 : memref<100xi32, #tpu.memory_space<vmem>>) semaphore(%arg26 : memref<!tpu.dma_semaphore, #tpu.memory_space<semaphore_mem>>) {add = true}
      %dma_wait3A_177 = arith.constant 0 : i32
      %dma_wait3A_178 = tpu.memref_slice %arg3[%add3A, %add3A_113, %dma_wait3A_177] : memref<32x100x100xi32, #tpu.memory_space<hbm>> -> memref<1x1x100xi32, #tpu.memory_space<hbm>>
      %dma_wait3A_179 = tpu.memref_squeeze %dma_wait3A_178 : memref<1x1x100xi32, #tpu.memory_space<hbm>> -> memref<100xi32, #tpu.memory_space<hbm>>
      %dma_wait3A_180 = arith.constant 0 : i32
      %dma_wait3A_181 = tpu.memref_slice %arg3[%add3A, %add3A_113, %dma_wait3A_180] : memref<32x100x100xi32, #tpu.memory_space<hbm>> -> memref<1x1x100xi32, #tpu.memory_space<hbm>>
      %dma_wait3A_182 = tpu.memref_squeeze %dma_wait3A_181 : memref<1x1x100xi32, #tpu.memory_space<hbm>> -> memref<100xi32, #tpu.memory_space<hbm>>
      tpu.wait_dma2 semaphore(%arg19 : memref<!tpu.dma_semaphore, #tpu.memory_space<semaphore_mem>>) src(%dma_wait3A_182 : memref<100xi32, #tpu.memory_space<hbm>>) dst(%arg11 : memref<100xi32, #tpu.memory_space<vmem>>)
      %dma_start3A_183 = arith.constant 0 : i32
      %dma_start3A_184 = arith.constant 0 : i32
      %dma_start3A_185 = tpu.memref_slice %arg8[%dma_start3A_183, %dma_start3A_184] : memref<10000x128xf32, #tpu.memory_space<vmem_shared>> -> memref<10000x128xf32, #tpu.memory_space<vmem_shared>>
      tpu.enqueue_indirect_dma source(%arg9 : memref<100x128xf32, #tpu.memory_space<vmem>>) target(%dma_start3A_185 : memref<10000x128xf32, #tpu.memory_space<vmem_shared>>) offsets(%arg11 : memref<100xi32, #tpu.memory_space<vmem>>) semaphore(%arg27 : memref<!tpu.dma_semaphore, #tpu.memory_space<semaphore_mem>>) {add = true}
      %dma_wait3A_186 = arith.constant 0 : i32
      %dma_wait3A_187 = tpu.memref_slice %arg3[%add3A, %add3A_121, %dma_wait3A_186] : memref<32x100x100xi32, #tpu.memory_space<hbm>> -> memref<1x1x100xi32, #tpu.memory_space<hbm>>
      %dma_wait3A_188 = tpu.memref_squeeze %dma_wait3A_187 : memref<1x1x100xi32, #tpu.memory_space<hbm>> -> memref<100xi32, #tpu.memory_space<hbm>>
      %dma_wait3A_189 = arith.constant 0 : i32
      %dma_wait3A_190 = tpu.memref_slice %arg3[%add3A, %add3A_121, %dma_wait3A_189] : memref<32x100x100xi32, #tpu.memory_space<hbm>> -> memref<1x1x100xi32, #tpu.memory_space<hbm>>
      %dma_wait3A_191 = tpu.memref_squeeze %dma_wait3A_190 : memref<1x1x100xi32, #tpu.memory_space<hbm>> -> memref<100xi32, #tpu.memory_space<hbm>>
      tpu.wait_dma2 semaphore(%arg20 : memref<!tpu.dma_semaphore, #tpu.memory_space<semaphore_mem>>) src(%dma_wait3A_191 : memref<100xi32, #tpu.memory_space<hbm>>) dst(%arg12 : memref<100xi32, #tpu.memory_space<vmem>>)
      %dma_start3A_192 = arith.constant 0 : i32
      %dma_start3A_193 = arith.constant 0 : i32
      %dma_start3A_194 = tpu.memref_slice %arg8[%dma_start3A_192, %dma_start3A_193] : memref<10000x128xf32, #tpu.memory_space<vmem_shared>> -> memref<10000x128xf32, #tpu.memory_space<vmem_shared>>
      tpu.enqueue_indirect_dma source(%arg9 : memref<100x128xf32, #tpu.memory_space<vmem>>) target(%dma_start3A_194 : memref<10000x128xf32, #tpu.memory_space<vmem_shared>>) offsets(%arg12 : memref<100xi32, #tpu.memory_space<vmem>>) semaphore(%arg28 : memref<!tpu.dma_semaphore, #tpu.memory_space<semaphore_mem>>) {add = true}
      %dma_wait3A_195 = arith.constant 0 : i32
      %dma_wait3A_196 = tpu.memref_slice %arg3[%add3A, %add3A_129, %dma_wait3A_195] : memref<32x100x100xi32, #tpu.memory_space<hbm>> -> memref<1x1x100xi32, #tpu.memory_space<hbm>>
      %dma_wait3A_197 = tpu.memref_squeeze %dma_wait3A_196 : memref<1x1x100xi32, #tpu.memory_space<hbm>> -> memref<100xi32, #tpu.memory_space<hbm>>
      %dma_wait3A_198 = arith.constant 0 : i32
      %dma_wait3A_199 = tpu.memref_slice %arg3[%add3A, %add3A_129, %dma_wait3A_198] : memref<32x100x100xi32, #tpu.memory_space<hbm>> -> memref<1x1x100xi32, #tpu.memory_space<hbm>>
      %dma_wait3A_200 = tpu.memref_squeeze %dma_wait3A_199 : memref<1x1x100xi32, #tpu.memory_space<hbm>> -> memref<100xi32, #tpu.memory_space<hbm>>
      tpu.wait_dma2 semaphore(%arg21 : memref<!tpu.dma_semaphore, #tpu.memory_space<semaphore_mem>>) src(%dma_wait3A_200 : memref<100xi32, #tpu.memory_space<hbm>>) dst(%arg13 : memref<100xi32, #tpu.memory_space<vmem>>)
      %dma_start3A_201 = arith.constant 0 : i32
      %dma_start3A_202 = arith.constant 0 : i32
      %dma_start3A_203 = tpu.memref_slice %arg8[%dma_start3A_201, %dma_start3A_202] : memref<10000x128xf32, #tpu.memory_space<vmem_shared>> -> memref<10000x128xf32, #tpu.memory_space<vmem_shared>>
      tpu.enqueue_indirect_dma source(%arg9 : memref<100x128xf32, #tpu.memory_space<vmem>>) target(%dma_start3A_203 : memref<10000x128xf32, #tpu.memory_space<vmem_shared>>) offsets(%arg13 : memref<100xi32, #tpu.memory_space<vmem>>) semaphore(%arg29 : memref<!tpu.dma_semaphore, #tpu.memory_space<semaphore_mem>>) {add = true}
      %dma_wait3A_204 = arith.constant 0 : i32
      %dma_wait3A_205 = tpu.memref_slice %arg3[%add3A, %add3A_137, %dma_wait3A_204] : memref<32x100x100xi32, #tpu.memory_space<hbm>> -> memref<1x1x100xi32, #tpu.memory_space<hbm>>
      %dma_wait3A_206 = tpu.memref_squeeze %dma_wait3A_205 : memref<1x1x100xi32, #tpu.memory_space<hbm>> -> memref<100xi32, #tpu.memory_space<hbm>>
      %dma_wait3A_207 = arith.constant 0 : i32
      %dma_wait3A_208 = tpu.memref_slice %arg3[%add3A, %add3A_137, %dma_wait3A_207] : memref<32x100x100xi32, #tpu.memory_space<hbm>> -> memref<1x1x100xi32, #tpu.memory_space<hbm>>
      %dma_wait3A_209 = tpu.memref_squeeze %dma_wait3A_208 : memref<1x1x100xi32, #tpu.memory_space<hbm>> -> memref<100xi32, #tpu.memory_space<hbm>>
      tpu.wait_dma2 semaphore(%arg22 : memref<!tpu.dma_semaphore, #tpu.memory_space<semaphore_mem>>) src(%dma_wait3A_209 : memref<100xi32, #tpu.memory_space<hbm>>) dst(%arg14 : memref<100xi32, #tpu.memory_space<vmem>>)
      %dma_start3A_210 = arith.constant 0 : i32
      %dma_start3A_211 = arith.constant 0 : i32
      %dma_start3A_212 = tpu.memref_slice %arg8[%dma_start3A_210, %dma_start3A_211] : memref<10000x128xf32, #tpu.memory_space<vmem_shared>> -> memref<10000x128xf32, #tpu.memory_space<vmem_shared>>
      tpu.enqueue_indirect_dma source(%arg9 : memref<100x128xf32, #tpu.memory_space<vmem>>) target(%dma_start3A_212 : memref<10000x128xf32, #tpu.memory_space<vmem_shared>>) offsets(%arg14 : memref<100xi32, #tpu.memory_space<vmem>>) semaphore(%arg30 : memref<!tpu.dma_semaphore, #tpu.memory_space<semaphore_mem>>) {add = true}
      %dma_wait3A_213 = arith.constant 0 : i32
      %dma_wait3A_214 = tpu.memref_slice %arg3[%add3A, %add3A_145, %dma_wait3A_213] : memref<32x100x100xi32, #tpu.memory_space<hbm>> -> memref<1x1x100xi32, #tpu.memory_space<hbm>>
      %dma_wait3A_215 = tpu.memref_squeeze %dma_wait3A_214 : memref<1x1x100xi32, #tpu.memory_space<hbm>> -> memref<100xi32, #tpu.memory_space<hbm>>
      %dma_wait3A_216 = arith.constant 0 : i32
      %dma_wait3A_217 = tpu.memref_slice %arg3[%add3A, %add3A_145, %dma_wait3A_216] : memref<32x100x100xi32, #tpu.memory_space<hbm>> -> memref<1x1x100xi32, #tpu.memory_space<hbm>>
      %dma_wait3A_218 = tpu.memref_squeeze %dma_wait3A_217 : memref<1x1x100xi32, #tpu.memory_space<hbm>> -> memref<100xi32, #tpu.memory_space<hbm>>
      tpu.wait_dma2 semaphore(%arg23 : memref<!tpu.dma_semaphore, #tpu.memory_space<semaphore_mem>>) src(%dma_wait3A_218 : memref<100xi32, #tpu.memory_space<hbm>>) dst(%arg15 : memref<100xi32, #tpu.memory_space<vmem>>)
      %dma_start3A_219 = arith.constant 0 : i32
      %dma_start3A_220 = arith.constant 0 : i32
      %dma_start3A_221 = tpu.memref_slice %arg8[%dma_start3A_219, %dma_start3A_220] : memref<10000x128xf32, #tpu.memory_space<vmem_shared>> -> memref<10000x128xf32, #tpu.memory_space<vmem_shared>>
      tpu.enqueue_indirect_dma source(%arg9 : memref<100x128xf32, #tpu.memory_space<vmem>>) target(%dma_start3A_221 : memref<10000x128xf32, #tpu.memory_space<vmem_shared>>) offsets(%arg15 : memref<100xi32, #tpu.memory_space<vmem>>) semaphore(%arg31 : memref<!tpu.dma_semaphore, #tpu.memory_space<semaphore_mem>>) {add = true}
      %dma_wait3A_222 = arith.constant 0 : i32
      %dma_wait3A_223 = tpu.memref_slice %arg3[%add3A, %add3A_153, %dma_wait3A_222] : memref<32x100x100xi32, #tpu.memory_space<hbm>> -> memref<1x1x100xi32, #tpu.memory_space<hbm>>
      %dma_wait3A_224 = tpu.memref_squeeze %dma_wait3A_223 : memref<1x1x100xi32, #tpu.memory_space<hbm>> -> memref<100xi32, #tpu.memory_space<hbm>>
      %dma_wait3A_225 = arith.constant 0 : i32
      %dma_wait3A_226 = tpu.memref_slice %arg3[%add3A, %add3A_153, %dma_wait3A_225] : memref<32x100x100xi32, #tpu.memory_space<hbm>> -> memref<1x1x100xi32, #tpu.memory_space<hbm>>
      %dma_wait3A_227 = tpu.memref_squeeze %dma_wait3A_226 : memref<1x1x100xi32, #tpu.memory_space<hbm>> -> memref<100xi32, #tpu.memory_space<hbm>>
      tpu.wait_dma2 semaphore(%arg24 : memref<!tpu.dma_semaphore, #tpu.memory_space<semaphore_mem>>) src(%dma_wait3A_227 : memref<100xi32, #tpu.memory_space<hbm>>) dst(%arg16 : memref<100xi32, #tpu.memory_space<vmem>>)
      %dma_start3A_228 = arith.constant 0 : i32
      %dma_start3A_229 = arith.constant 0 : i32
      %dma_start3A_230 = tpu.memref_slice %arg8[%dma_start3A_228, %dma_start3A_229] : memref<10000x128xf32, #tpu.memory_space<vmem_shared>> -> memref<10000x128xf32, #tpu.memory_space<vmem_shared>>
      tpu.enqueue_indirect_dma source(%arg9 : memref<100x128xf32, #tpu.memory_space<vmem>>) target(%dma_start3A_230 : memref<10000x128xf32, #tpu.memory_space<vmem_shared>>) offsets(%arg16 : memref<100xi32, #tpu.memory_space<vmem>>) semaphore(%arg32 : memref<!tpu.dma_semaphore, #tpu.memory_space<semaphore_mem>>) {add = true}
      %dma_wait3A_231 = arith.constant 0 : i32
      %dma_wait3A_232 = tpu.memref_slice %arg3[%add3A, %add3A_161, %dma_wait3A_231] : memref<32x100x100xi32, #tpu.memory_space<hbm>> -> memref<1x1x100xi32, #tpu.memory_space<hbm>>
      %dma_wait3A_233 = tpu.memref_squeeze %dma_wait3A_232 : memref<1x1x100xi32, #tpu.memory_space<hbm>> -> memref<100xi32, #tpu.memory_space<hbm>>
      %dma_wait3A_234 = arith.constant 0 : i32
      %dma_wait3A_235 = tpu.memref_slice %arg3[%add3A, %add3A_161, %dma_wait3A_234] : memref<32x100x100xi32, #tpu.memory_space<hbm>> -> memref<1x1x100xi32, #tpu.memory_space<hbm>>
      %dma_wait3A_236 = tpu.memref_squeeze %dma_wait3A_235 : memref<1x1x100xi32, #tpu.memory_space<hbm>> -> memref<100xi32, #tpu.memory_space<hbm>>
      tpu.wait_dma2 semaphore(%arg25 : memref<!tpu.dma_semaphore, #tpu.memory_space<semaphore_mem>>) src(%dma_wait3A_236 : memref<100xi32, #tpu.memory_space<hbm>>) dst(%arg17 : memref<100xi32, #tpu.memory_space<vmem>>)
      %dma_start3A_237 = arith.constant 0 : i32
      %dma_start3A_238 = arith.constant 0 : i32
      %dma_start3A_239 = tpu.memref_slice %arg8[%dma_start3A_237, %dma_start3A_238] : memref<10000x128xf32, #tpu.memory_space<vmem_shared>> -> memref<10000x128xf32, #tpu.memory_space<vmem_shared>>
      tpu.enqueue_indirect_dma source(%arg9 : memref<100x128xf32, #tpu.memory_space<vmem>>) target(%dma_start3A_239 : memref<10000x128xf32, #tpu.memory_space<vmem_shared>>) offsets(%arg17 : memref<100xi32, #tpu.memory_space<vmem>>) semaphore(%arg33 : memref<!tpu.dma_semaphore, #tpu.memory_space<semaphore_mem>>) {add = true}
      %dma_wait3A_240 = arith.constant 0 : i32
      %dma_wait3A_241 = arith.constant 0 : i32
      %dma_wait3A_242 = tpu.memref_slice %arg8[%dma_wait3A_240, %dma_wait3A_241] : memref<10000x128xf32, #tpu.memory_space<vmem_shared>> -> memref<10000x128xf32, #tpu.memory_space<vmem_shared>>
      tpu.wait_indirect_dma semaphore(%arg26 : memref<!tpu.dma_semaphore, #tpu.memory_space<semaphore_mem>>) src(%arg9 : memref<100x128xf32, #tpu.memory_space<vmem>>) dst(%dma_wait3A_242 : memref<10000x128xf32, #tpu.memory_space<vmem_shared>>)
      %dma_wait3A_243 = arith.constant 0 : i32
      %dma_wait3A_244 = arith.constant 0 : i32
      %dma_wait3A_245 = tpu.memref_slice %arg8[%dma_wait3A_243, %dma_wait3A_244] : memref<10000x128xf32, #tpu.memory_space<vmem_shared>> -> memref<10000x128xf32, #tpu.memory_space<vmem_shared>>
      tpu.wait_indirect_dma semaphore(%arg27 : memref<!tpu.dma_semaphore, #tpu.memory_space<semaphore_mem>>) src(%arg9 : memref<100x128xf32, #tpu.memory_space<vmem>>) dst(%dma_wait3A_245 : memref<10000x128xf32, #tpu.memory_space<vmem_shared>>)
      %dma_wait3A_246 = arith.constant 0 : i32
      %dma_wait3A_247 = arith.constant 0 : i32
      %dma_wait3A_248 = tpu.memref_slice %arg8[%dma_wait3A_246, %dma_wait3A_247] : memref<10000x128xf32, #tpu.memory_space<vmem_shared>> -> memref<10000x128xf32, #tpu.memory_space<vmem_shared>>
      tpu.wait_indirect_dma semaphore(%arg28 : memref<!tpu.dma_semaphore, #tpu.memory_space<semaphore_mem>>) src(%arg9 : memref<100x128xf32, #tpu.memory_space<vmem>>) dst(%dma_wait3A_248 : memref<10000x128xf32, #tpu.memory_space<vmem_shared>>)
      %dma_wait3A_249 = arith.constant 0 : i32
      %dma_wait3A_250 = arith.constant 0 : i32
      %dma_wait3A_251 = tpu.memref_slice %arg8[%dma_wait3A_249, %dma_wait3A_250] : memref<10000x128xf32, #tpu.memory_space<vmem_shared>> -> memref<10000x128xf32, #tpu.memory_space<vmem_shared>>
      tpu.wait_indirect_dma semaphore(%arg29 : memref<!tpu.dma_semaphore, #tpu.memory_space<semaphore_mem>>) src(%arg9 : memref<100x128xf32, #tpu.memory_space<vmem>>) dst(%dma_wait3A_251 : memref<10000x128xf32, #tpu.memory_space<vmem_shared>>)
      %dma_wait3A_252 = arith.constant 0 : i32
      %dma_wait3A_253 = arith.constant 0 : i32
      %dma_wait3A_254 = tpu.memref_slice %arg8[%dma_wait3A_252, %dma_wait3A_253] : memref<10000x128xf32, #tpu.memory_space<vmem_shared>> -> memref<10000x128xf32, #tpu.memory_space<vmem_shared>>
      tpu.wait_indirect_dma semaphore(%arg30 : memref<!tpu.dma_semaphore, #tpu.memory_space<semaphore_mem>>) src(%arg9 : memref<100x128xf32, #tpu.memory_space<vmem>>) dst(%dma_wait3A_254 : memref<10000x128xf32, #tpu.memory_space<vmem_shared>>)
      %dma_wait3A_255 = arith.constant 0 : i32
      %dma_wait3A_256 = arith.constant 0 : i32
      %dma_wait3A_257 = tpu.memref_slice %arg8[%dma_wait3A_255, %dma_wait3A_256] : memref<10000x128xf32, #tpu.memory_space<vmem_shared>> -> memref<10000x128xf32, #tpu.memory_space<vmem_shared>>
      tpu.wait_indirect_dma semaphore(%arg31 : memref<!tpu.dma_semaphore, #tpu.memory_space<semaphore_mem>>) src(%arg9 : memref<100x128xf32, #tpu.memory_space<vmem>>) dst(%dma_wait3A_257 : memref<10000x128xf32, #tpu.memory_space<vmem_shared>>)
      %dma_wait3A_258 = arith.constant 0 : i32
      %dma_wait3A_259 = arith.constant 0 : i32
      %dma_wait3A_260 = tpu.memref_slice %arg8[%dma_wait3A_258, %dma_wait3A_259] : memref<10000x128xf32, #tpu.memory_space<vmem_shared>> -> memref<10000x128xf32, #tpu.memory_space<vmem_shared>>
      tpu.wait_indirect_dma semaphore(%arg32 : memref<!tpu.dma_semaphore, #tpu.memory_space<semaphore_mem>>) src(%arg9 : memref<100x128xf32, #tpu.memory_space<vmem>>) dst(%dma_wait3A_260 : memref<10000x128xf32, #tpu.memory_space<vmem_shared>>)
      %dma_wait3A_261 = arith.constant 0 : i32
      %dma_wait3A_262 = arith.constant 0 : i32
      %dma_wait3A_263 = tpu.memref_slice %arg8[%dma_wait3A_261, %dma_wait3A_262] : memref<10000x128xf32, #tpu.memory_space<vmem_shared>> -> memref<10000x128xf32, #tpu.memory_space<vmem_shared>>
      tpu.wait_indirect_dma semaphore(%arg33 : memref<!tpu.dma_semaphore, #tpu.memory_space<semaphore_mem>>) src(%arg9 : memref<100x128xf32, #tpu.memory_space<vmem>>) dst(%dma_wait3A_263 : memref<10000x128xf32, #tpu.memory_space<vmem_shared>>)
    }
    %scan3A_11 = arith.constant 12 : i32
    %dma_start3A = arith.constant 96 : i32
    %dma_start3A_12 = arith.constant 0 : i32
    %dma_start3A_13 = tpu.memref_slice %arg3[%add3A, %dma_start3A, %dma_start3A_12] : memref<32x100x100xi32, #tpu.memory_space<hbm>> -> memref<1x1x100xi32, #tpu.memory_space<hbm>>
    %dma_start3A_14 = tpu.memref_squeeze %dma_start3A_13 : memref<1x1x100xi32, #tpu.memory_space<hbm>> -> memref<100xi32, #tpu.memory_space<hbm>>
    %dma_start3A_15 = arith.constant 0 : i32
    %dma_start3A_16 = tpu.memref_slice %arg3[%add3A, %dma_start3A, %dma_start3A_15] : memref<32x100x100xi32, #tpu.memory_space<hbm>> -> memref<1x1x100xi32, #tpu.memory_space<hbm>>
    %dma_start3A_17 = tpu.memref_squeeze %dma_start3A_16 : memref<1x1x100xi32, #tpu.memory_space<hbm>> -> memref<100xi32, #tpu.memory_space<hbm>>
    tpu.enqueue_dma source(%dma_start3A_17 : memref<100xi32, #tpu.memory_space<hbm>>) target(%arg10 : memref<100xi32, #tpu.memory_space<vmem>>) target_semaphore(%arg18 : memref<!tpu.dma_semaphore, #tpu.memory_space<semaphore_mem>>)
    %dma_start3A_18 = arith.constant 97 : i32
    %dma_start3A_19 = arith.constant 0 : i32
    %dma_start3A_20 = tpu.memref_slice %arg3[%add3A, %dma_start3A_18, %dma_start3A_19] : memref<32x100x100xi32, #tpu.memory_space<hbm>> -> memref<1x1x100xi32, #tpu.memory_space<hbm>>
    %dma_start3A_21 = tpu.memref_squeeze %dma_start3A_20 : memref<1x1x100xi32, #tpu.memory_space<hbm>> -> memref<100xi32, #tpu.memory_space<hbm>>
    %dma_start3A_22 = arith.constant 0 : i32
    %dma_start3A_23 = tpu.memref_slice %arg3[%add3A, %dma_start3A_18, %dma_start3A_22] : memref<32x100x100xi32, #tpu.memory_space<hbm>> -> memref<1x1x100xi32, #tpu.memory_space<hbm>>
    %dma_start3A_24 = tpu.memref_squeeze %dma_start3A_23 : memref<1x1x100xi32, #tpu.memory_space<hbm>> -> memref<100xi32, #tpu.memory_space<hbm>>
    tpu.enqueue_dma source(%dma_start3A_24 : memref<100xi32, #tpu.memory_space<hbm>>) target(%arg11 : memref<100xi32, #tpu.memory_space<vmem>>) target_semaphore(%arg19 : memref<!tpu.dma_semaphore, #tpu.memory_space<semaphore_mem>>)
    %dma_start3A_25 = arith.constant 98 : i32
    %dma_start3A_26 = arith.constant 0 : i32
    %dma_start3A_27 = tpu.memref_slice %arg3[%add3A, %dma_start3A_25, %dma_start3A_26] : memref<32x100x100xi32, #tpu.memory_space<hbm>> -> memref<1x1x100xi32, #tpu.memory_space<hbm>>
    %dma_start3A_28 = tpu.memref_squeeze %dma_start3A_27 : memref<1x1x100xi32, #tpu.memory_space<hbm>> -> memref<100xi32, #tpu.memory_space<hbm>>
    %dma_start3A_29 = arith.constant 0 : i32
    %dma_start3A_30 = tpu.memref_slice %arg3[%add3A, %dma_start3A_25, %dma_start3A_29] : memref<32x100x100xi32, #tpu.memory_space<hbm>> -> memref<1x1x100xi32, #tpu.memory_space<hbm>>
    %dma_start3A_31 = tpu.memref_squeeze %dma_start3A_30 : memref<1x1x100xi32, #tpu.memory_space<hbm>> -> memref<100xi32, #tpu.memory_space<hbm>>
    tpu.enqueue_dma source(%dma_start3A_31 : memref<100xi32, #tpu.memory_space<hbm>>) target(%arg12 : memref<100xi32, #tpu.memory_space<vmem>>) target_semaphore(%arg20 : memref<!tpu.dma_semaphore, #tpu.memory_space<semaphore_mem>>)
    %dma_start3A_32 = arith.constant 99 : i32
    %dma_start3A_33 = arith.constant 0 : i32
    %dma_start3A_34 = tpu.memref_slice %arg3[%add3A, %dma_start3A_32, %dma_start3A_33] : memref<32x100x100xi32, #tpu.memory_space<hbm>> -> memref<1x1x100xi32, #tpu.memory_space<hbm>>
    %dma_start3A_35 = tpu.memref_squeeze %dma_start3A_34 : memref<1x1x100xi32, #tpu.memory_space<hbm>> -> memref<100xi32, #tpu.memory_space<hbm>>
    %dma_start3A_36 = arith.constant 0 : i32
    %dma_start3A_37 = tpu.memref_slice %arg3[%add3A, %dma_start3A_32, %dma_start3A_36] : memref<32x100x100xi32, #tpu.memory_space<hbm>> -> memref<1x1x100xi32, #tpu.memory_space<hbm>>
    %dma_start3A_38 = tpu.memref_squeeze %dma_start3A_37 : memref<1x1x100xi32, #tpu.memory_space<hbm>> -> memref<100xi32, #tpu.memory_space<hbm>>
    tpu.enqueue_dma source(%dma_start3A_38 : memref<100xi32, #tpu.memory_space<hbm>>) target(%arg13 : memref<100xi32, #tpu.memory_space<vmem>>) target_semaphore(%arg21 : memref<!tpu.dma_semaphore, #tpu.memory_space<semaphore_mem>>)
    %dma_wait3A = arith.constant 96 : i32
    %dma_wait3A_39 = arith.constant 0 : i32
    %dma_wait3A_40 = tpu.memref_slice %arg3[%add3A, %dma_wait3A, %dma_wait3A_39] : memref<32x100x100xi32, #tpu.memory_space<hbm>> -> memref<1x1x100xi32, #tpu.memory_space<hbm>>
    %dma_wait3A_41 = tpu.memref_squeeze %dma_wait3A_40 : memref<1x1x100xi32, #tpu.memory_space<hbm>> -> memref<100xi32, #tpu.memory_space<hbm>>
    %dma_wait3A_42 = arith.constant 0 : i32
    %dma_wait3A_43 = tpu.memref_slice %arg3[%add3A, %dma_wait3A, %dma_wait3A_42] : memref<32x100x100xi32, #tpu.memory_space<hbm>> -> memref<1x1x100xi32, #tpu.memory_space<hbm>>
    %dma_wait3A_44 = tpu.memref_squeeze %dma_wait3A_43 : memref<1x1x100xi32, #tpu.memory_space<hbm>> -> memref<100xi32, #tpu.memory_space<hbm>>
    tpu.wait_dma2 semaphore(%arg18 : memref<!tpu.dma_semaphore, #tpu.memory_space<semaphore_mem>>) src(%dma_wait3A_44 : memref<100xi32, #tpu.memory_space<hbm>>) dst(%arg10 : memref<100xi32, #tpu.memory_space<vmem>>)
    %dma_start3A_45 = arith.constant 0 : i32
    %dma_start3A_46 = arith.constant 0 : i32
    %dma_start3A_47 = tpu.memref_slice %arg8[%dma_start3A_45, %dma_start3A_46] : memref<10000x128xf32, #tpu.memory_space<vmem_shared>> -> memref<10000x128xf32, #tpu.memory_space<vmem_shared>>
    tpu.enqueue_indirect_dma source(%arg9 : memref<100x128xf32, #tpu.memory_space<vmem>>) target(%dma_start3A_47 : memref<10000x128xf32, #tpu.memory_space<vmem_shared>>) offsets(%arg10 : memref<100xi32, #tpu.memory_space<vmem>>) semaphore(%arg26 : memref<!tpu.dma_semaphore, #tpu.memory_space<semaphore_mem>>) {add = true}
    %dma_wait3A_48 = arith.constant 97 : i32
    %dma_wait3A_49 = arith.constant 0 : i32
    %dma_wait3A_50 = tpu.memref_slice %arg3[%add3A, %dma_wait3A_48, %dma_wait3A_49] : memref<32x100x100xi32, #tpu.memory_space<hbm>> -> memref<1x1x100xi32, #tpu.memory_space<hbm>>
    %dma_wait3A_51 = tpu.memref_squeeze %dma_wait3A_50 : memref<1x1x100xi32, #tpu.memory_space<hbm>> -> memref<100xi32, #tpu.memory_space<hbm>>
    %dma_wait3A_52 = arith.constant 0 : i32
    %dma_wait3A_53 = tpu.memref_slice %arg3[%add3A, %dma_wait3A_48, %dma_wait3A_52] : memref<32x100x100xi32, #tpu.memory_space<hbm>> -> memref<1x1x100xi32, #tpu.memory_space<hbm>>
    %dma_wait3A_54 = tpu.memref_squeeze %dma_wait3A_53 : memref<1x1x100xi32, #tpu.memory_space<hbm>> -> memref<100xi32, #tpu.memory_space<hbm>>
    tpu.wait_dma2 semaphore(%arg19 : memref<!tpu.dma_semaphore, #tpu.memory_space<semaphore_mem>>) src(%dma_wait3A_54 : memref<100xi32, #tpu.memory_space<hbm>>) dst(%arg11 : memref<100xi32, #tpu.memory_space<vmem>>)
    %dma_start3A_55 = arith.constant 0 : i32
    %dma_start3A_56 = arith.constant 0 : i32
    %dma_start3A_57 = tpu.memref_slice %arg8[%dma_start3A_55, %dma_start3A_56] : memref<10000x128xf32, #tpu.memory_space<vmem_shared>> -> memref<10000x128xf32, #tpu.memory_space<vmem_shared>>
    tpu.enqueue_indirect_dma source(%arg9 : memref<100x128xf32, #tpu.memory_space<vmem>>) target(%dma_start3A_57 : memref<10000x128xf32, #tpu.memory_space<vmem_shared>>) offsets(%arg11 : memref<100xi32, #tpu.memory_space<vmem>>) semaphore(%arg27 : memref<!tpu.dma_semaphore, #tpu.memory_space<semaphore_mem>>) {add = true}
    %dma_wait3A_58 = arith.constant 98 : i32
    %dma_wait3A_59 = arith.constant 0 : i32
    %dma_wait3A_60 = tpu.memref_slice %arg3[%add3A, %dma_wait3A_58, %dma_wait3A_59] : memref<32x100x100xi32, #tpu.memory_space<hbm>> -> memref<1x1x100xi32, #tpu.memory_space<hbm>>
    %dma_wait3A_61 = tpu.memref_squeeze %dma_wait3A_60 : memref<1x1x100xi32, #tpu.memory_space<hbm>> -> memref<100xi32, #tpu.memory_space<hbm>>
    %dma_wait3A_62 = arith.constant 0 : i32
    %dma_wait3A_63 = tpu.memref_slice %arg3[%add3A, %dma_wait3A_58, %dma_wait3A_62] : memref<32x100x100xi32, #tpu.memory_space<hbm>> -> memref<1x1x100xi32, #tpu.memory_space<hbm>>
    %dma_wait3A_64 = tpu.memref_squeeze %dma_wait3A_63 : memref<1x1x100xi32, #tpu.memory_space<hbm>> -> memref<100xi32, #tpu.memory_space<hbm>>
    tpu.wait_dma2 semaphore(%arg20 : memref<!tpu.dma_semaphore, #tpu.memory_space<semaphore_mem>>) src(%dma_wait3A_64 : memref<100xi32, #tpu.memory_space<hbm>>) dst(%arg12 : memref<100xi32, #tpu.memory_space<vmem>>)
    %dma_start3A_65 = arith.constant 0 : i32
    %dma_start3A_66 = arith.constant 0 : i32
    %dma_start3A_67 = tpu.memref_slice %arg8[%dma_start3A_65, %dma_start3A_66] : memref<10000x128xf32, #tpu.memory_space<vmem_shared>> -> memref<10000x128xf32, #tpu.memory_space<vmem_shared>>
    tpu.enqueue_indirect_dma source(%arg9 : memref<100x128xf32, #tpu.memory_space<vmem>>) target(%dma_start3A_67 : memref<10000x128xf32, #tpu.memory_space<vmem_shared>>) offsets(%arg12 : memref<100xi32, #tpu.memory_space<vmem>>) semaphore(%arg28 : memref<!tpu.dma_semaphore, #tpu.memory_space<semaphore_mem>>) {add = true}
    %dma_wait3A_68 = arith.constant 99 : i32
    %dma_wait3A_69 = arith.constant 0 : i32
    %dma_wait3A_70 = tpu.memref_slice %arg3[%add3A, %dma_wait3A_68, %dma_wait3A_69] : memref<32x100x100xi32, #tpu.memory_space<hbm>> -> memref<1x1x100xi32, #tpu.memory_space<hbm>>
    %dma_wait3A_71 = tpu.memref_squeeze %dma_wait3A_70 : memref<1x1x100xi32, #tpu.memory_space<hbm>> -> memref<100xi32, #tpu.memory_space<hbm>>
    %dma_wait3A_72 = arith.constant 0 : i32
    %dma_wait3A_73 = tpu.memref_slice %arg3[%add3A, %dma_wait3A_68, %dma_wait3A_72] : memref<32x100x100xi32, #tpu.memory_space<hbm>> -> memref<1x1x100xi32, #tpu.memory_space<hbm>>
    %dma_wait3A_74 = tpu.memref_squeeze %dma_wait3A_73 : memref<1x1x100xi32, #tpu.memory_space<hbm>> -> memref<100xi32, #tpu.memory_space<hbm>>
    tpu.wait_dma2 semaphore(%arg21 : memref<!tpu.dma_semaphore, #tpu.memory_space<semaphore_mem>>) src(%dma_wait3A_74 : memref<100xi32, #tpu.memory_space<hbm>>) dst(%arg13 : memref<100xi32, #tpu.memory_space<vmem>>)
    %dma_start3A_75 = arith.constant 0 : i32
    %dma_start3A_76 = arith.constant 0 : i32
    %dma_start3A_77 = tpu.memref_slice %arg8[%dma_start3A_75, %dma_start3A_76] : memref<10000x128xf32, #tpu.memory_space<vmem_shared>> -> memref<10000x128xf32, #tpu.memory_space<vmem_shared>>
    tpu.enqueue_indirect_dma source(%arg9 : memref<100x128xf32, #tpu.memory_space<vmem>>) target(%dma_start3A_77 : memref<10000x128xf32, #tpu.memory_space<vmem_shared>>) offsets(%arg13 : memref<100xi32, #tpu.memory_space<vmem>>) semaphore(%arg29 : memref<!tpu.dma_semaphore, #tpu.memory_space<semaphore_mem>>) {add = true}
    %dma_wait3A_78 = arith.constant 0 : i32
    %dma_wait3A_79 = arith.constant 0 : i32
    %dma_wait3A_80 = tpu.memref_slice %arg8[%dma_wait3A_78, %dma_wait3A_79] : memref<10000x128xf32, #tpu.memory_space<vmem_shared>> -> memref<10000x128xf32, #tpu.memory_space<vmem_shared>>
    tpu.wait_indirect_dma semaphore(%arg26 : memref<!tpu.dma_semaphore, #tpu.memory_space<semaphore_mem>>) src(%arg9 : memref<100x128xf32, #tpu.memory_space<vmem>>) dst(%dma_wait3A_80 : memref<10000x128xf32, #tpu.memory_space<vmem_shared>>)
    %dma_wait3A_81 = arith.constant 0 : i32
    %dma_wait3A_82 = arith.constant 0 : i32
    %dma_wait3A_83 = tpu.memref_slice %arg8[%dma_wait3A_81, %dma_wait3A_82] : memref<10000x128xf32, #tpu.memory_space<vmem_shared>> -> memref<10000x128xf32, #tpu.memory_space<vmem_shared>>
    tpu.wait_indirect_dma semaphore(%arg27 : memref<!tpu.dma_semaphore, #tpu.memory_space<semaphore_mem>>) src(%arg9 : memref<100x128xf32, #tpu.memory_space<vmem>>) dst(%dma_wait3A_83 : memref<10000x128xf32, #tpu.memory_space<vmem_shared>>)
    %dma_wait3A_84 = arith.constant 0 : i32
    %dma_wait3A_85 = arith.constant 0 : i32
    %dma_wait3A_86 = tpu.memref_slice %arg8[%dma_wait3A_84, %dma_wait3A_85] : memref<10000x128xf32, #tpu.memory_space<vmem_shared>> -> memref<10000x128xf32, #tpu.memory_space<vmem_shared>>
    tpu.wait_indirect_dma semaphore(%arg28 : memref<!tpu.dma_semaphore, #tpu.memory_space<semaphore_mem>>) src(%arg9 : memref<100x128xf32, #tpu.memory_space<vmem>>) dst(%dma_wait3A_86 : memref<10000x128xf32, #tpu.memory_space<vmem_shared>>)
    %dma_wait3A_87 = arith.constant 0 : i32
    %dma_wait3A_88 = arith.constant 0 : i32
    %dma_wait3A_89 = tpu.memref_slice %arg8[%dma_wait3A_87, %dma_wait3A_88] : memref<10000x128xf32, #tpu.memory_space<vmem_shared>> -> memref<10000x128xf32, #tpu.memory_space<vmem_shared>>
    tpu.wait_indirect_dma semaphore(%arg29 : memref<!tpu.dma_semaphore, #tpu.memory_space<semaphore_mem>>) src(%arg9 : memref<100x128xf32, #tpu.memory_space<vmem>>) dst(%dma_wait3A_89 : memref<10000x128xf32, #tpu.memory_space<vmem_shared>>)
    %barrier3A_90 = arith.constant 0 : index
    tpu.barrier barrier_id(%barrier3A_90)
    %lt3A_91 = arith.constant 15 : i32
    %lt3A_92 = arith.cmpi slt, %arg1, %lt3A_91 : i32
    %convert_element_type3A_93 = arith.extui %lt3A_92 : i1 to i32
    %cond3A_94 = arith.constant 0 : i32
    %cond3A_95 = arith.cmpi ne, %convert_element_type3A_93, %cond3A_94 : i32
    scf.if %cond3A_95 {
      %mul3A_101 = arith.constant 624 : i32
      %mul3A_102 = arith.muli %arg1, %mul3A_101 : i32
      %mul3A_103 = arith.constant 624 : i32
      %mul3A_104 = arith.muli %arg1, %mul3A_103 : i32
      "tpu.region"() ({
        %run_scoped3A = tpu.sem_alloc : memref<!tpu.dma_semaphore, #tpu.memory_space<semaphore_mem>>
        %dma_start3A_105 = arith.constant 0 : i32
        %dma_start3A_106 = tpu.memref_slice %arg7[%arg0, %mul3A_104, %dma_start3A_105] : memref<2x10000x128xf32, #tpu.memory_space<hbm>> -> memref<1x624x128xf32, #tpu.memory_space<hbm>>
        %dma_start3A_107 = tpu.memref_squeeze %dma_start3A_106 : memref<1x624x128xf32, #tpu.memory_space<hbm>> -> memref<624x128xf32, #tpu.memory_space<hbm>>
        %dma_start3A_108 = arith.constant 0 : i32
        %dma_start3A_109 = tpu.memref_slice %arg8[%mul3A_102, %dma_start3A_108] : memref<10000x128xf32, #tpu.memory_space<vmem_shared>> -> memref<624x128xf32, #tpu.memory_space<vmem_shared>>
        tpu.enqueue_dma source(%dma_start3A_109 : memref<624x128xf32, #tpu.memory_space<vmem_shared>>) target(%dma_start3A_107 : memref<624x128xf32, #tpu.memory_space<hbm>>) target_semaphore(%run_scoped3A : memref<!tpu.dma_semaphore, #tpu.memory_space<semaphore_mem>>)
        %dma_wait3A_110 = arith.constant 0 : i32
        %dma_wait3A_111 = tpu.memref_slice %arg7[%arg0, %mul3A_104, %dma_wait3A_110] : memref<2x10000x128xf32, #tpu.memory_space<hbm>> -> memref<1x624x128xf32, #tpu.memory_space<hbm>>
        %dma_wait3A_112 = tpu.memref_squeeze %dma_wait3A_111 : memref<1x624x128xf32, #tpu.memory_space<hbm>> -> memref<624x128xf32, #tpu.memory_space<hbm>>
        %dma_wait3A_113 = arith.constant 0 : i32
        %dma_wait3A_114 = tpu.memref_slice %arg8[%mul3A_102, %dma_wait3A_113] : memref<10000x128xf32, #tpu.memory_space<vmem_shared>> -> memref<624x128xf32, #tpu.memory_space<vmem_shared>>
        tpu.wait_dma2 semaphore(%run_scoped3A : memref<!tpu.dma_semaphore, #tpu.memory_space<semaphore_mem>>) src(%dma_wait3A_114 : memref<624x128xf32, #tpu.memory_space<vmem_shared>>) dst(%dma_wait3A_112 : memref<624x128xf32, #tpu.memory_space<hbm>>)
        tpu.yield
      }) : () -> ()
    } else {
    }
    %eq3A_96 = arith.constant 15 : i32
    %eq3A_97 = arith.cmpi eq, %arg1, %eq3A_96 : i32
    %convert_element_type3A_98 = arith.extui %eq3A_97 : i1 to i32
    %cond3A_99 = arith.constant 0 : i32
    %cond3A_100 = arith.cmpi ne, %convert_element_type3A_98, %cond3A_99 : i32
    scf.if %cond3A_100 {
      "tpu.region"() ({
        %run_scoped3A = tpu.sem_alloc : memref<!tpu.dma_semaphore, #tpu.memory_space<semaphore_mem>>
        %dma_start3A_101 = arith.constant 9360 : i32
        %dma_start3A_102 = arith.constant 0 : i32
        %dma_start3A_103 = tpu.memref_slice %arg7[%arg0, %dma_start3A_101, %dma_start3A_102] : memref<2x10000x128xf32, #tpu.memory_space<hbm>> -> memref<1x640x128xf32, #tpu.memory_space<hbm>>
        %dma_start3A_104 = tpu.memref_squeeze %dma_start3A_103 : memref<1x640x128xf32, #tpu.memory_space<hbm>> -> memref<640x128xf32, #tpu.memory_space<hbm>>
        %dma_start3A_105 = arith.constant 9360 : i32
        %dma_start3A_106 = arith.constant 0 : i32
        %dma_start3A_107 = tpu.memref_slice %arg8[%dma_start3A_105, %dma_start3A_106] : memref<10000x128xf32, #tpu.memory_space<vmem_shared>> -> memref<640x128xf32, #tpu.memory_space<vmem_shared>>
        tpu.enqueue_dma source(%dma_start3A_107 : memref<640x128xf32, #tpu.memory_space<vmem_shared>>) target(%dma_start3A_104 : memref<640x128xf32, #tpu.memory_space<hbm>>) target_semaphore(%run_scoped3A : memref<!tpu.dma_semaphore, #tpu.memory_space<semaphore_mem>>)
        %dma_wait3A_108 = arith.constant 9360 : i32
        %dma_wait3A_109 = arith.constant 0 : i32
        %dma_wait3A_110 = tpu.memref_slice %arg7[%arg0, %dma_wait3A_108, %dma_wait3A_109] : memref<2x10000x128xf32, #tpu.memory_space<hbm>> -> memref<1x640x128xf32, #tpu.memory_space<hbm>>
        %dma_wait3A_111 = tpu.memref_squeeze %dma_wait3A_110 : memref<1x640x128xf32, #tpu.memory_space<hbm>> -> memref<640x128xf32, #tpu.memory_space<hbm>>
        %dma_wait3A_112 = arith.constant 9360 : i32
        %dma_wait3A_113 = arith.constant 0 : i32
        %dma_wait3A_114 = tpu.memref_slice %arg8[%dma_wait3A_112, %dma_wait3A_113] : memref<10000x128xf32, #tpu.memory_space<vmem_shared>> -> memref<640x128xf32, #tpu.memory_space<vmem_shared>>
        tpu.wait_dma2 semaphore(%run_scoped3A : memref<!tpu.dma_semaphore, #tpu.memory_space<semaphore_mem>>) src(%dma_wait3A_114 : memref<640x128xf32, #tpu.memory_space<vmem_shared>>) dst(%dma_wait3A_111 : memref<640x128xf32, #tpu.memory_space<hbm>>)
        tpu.yield
      }) : () -> ()
    } else {
    }
    return
  }
}

</mosaic_0001>

<sc_bundles>
// kernel: _edge_aggregate.3.cloned.1.call-start
scs
__scs_entry_jumppad:
0x0: {  	(pc) =	sbr.rel $0x88, $3  }
0x1: {  	(tag) =	ssettag $0x0;
	lr =	simm.s32 $0x1  }
0x2: {  	[smem:$0x3F9C] =	sst lr;
	_ =	strace $0xD0000000  }
0x3: {  	_ = 	snop  }
0x4: {  	_ = 	snop  }
0x5: {  	_ = 	snop  }
0x6: {  	_ = 	snop  }
0x7: {  	_ = 	snop  }
__scs_overlays_trampoline_lowered:
0x8: {  	[smem:$0x3FAB] =	sst s0  }
0x9: {  	[smem:$0x3FAC] =	sst s1  }
0xa: {  	[smem:$0x3FAD] =	sst s2  }
0xb: {  	[smem:$0x3FAE] =	sst s3  }
0xc: {  	[smem:$0x3FAF] =	sst s4  }
0xd: {  	[smem:$0x3FB0] =	sst s5  }
0xe: {  	[smem:$0x3FB1] =	sst s6  }
0xf: {  	[smem:$0x3FB2] =	sst s7  }
0x10: {  	[smem:$0x3FB3] =	sst s8  }
0x11: {  	[smem:$0x3FB4] =	sst s9;
	s0 =	simm.s32 @!p0 $0x0  }
0x12: {  	s1 =	sld [smem:$0x3F9A];
	s0 =	simm.s32 @p0 $0x1  }
0x13: {  	[smem:$0x3FB5] =	sst s0;
	s0 =	simm.s32 @!p1 $0x0  }
0x14: {  	s2 =	sld [smem:$0x3F99];
	s0 =	simm.s32 @p1 $0x1  }
0x15: {  	[smem:$0x3FB6] =	sst s0;
	s0 =	simm.s32 @!p2 $0x0  }
0x16: {  	s3 =	sld [smem:$0x3FDB];
	s0 =	simm.s32 @p2 $0x1  }
0x17: {  	s4 =	simm.s32 $0x1BF5;
	[smem:$0x3FB8] =	sst s0  }
0x18: {  	s0 =	sld [smem:$0x3F9B];
	_ =	swait.ge [sflag:s4], $0x0  }
0x19: {  	s7 =	sld [smem:$0x3F9C]  }
0x1a: {  	s8 =	sadd.s32 $0xFFFFE003, lr  }
0x1b: {  	s9 =	sadd.s32 $0xFFFFFEF7, lr;
	s5 =	simm.s32 $0xFFFFFFFF;
	p2 =	slt.u32 s8, $0xFFFFF086  }
0x1c: {  	p1 =	slt.u32 s9, $0xF7A;
	s5 =	simm.s32 @!p2 $0x0  }
0x1d: {  	s5 =	simm.s32 @p1 $0x1;
	p0 =	seq.s32 s7, s2  }
0x1e: {  	s7 =	smul.u32 @!p0 $0xF7A, s2;
	p2 =	seq.s32 @!p0 s5, $0x0  }
0x1f: {  	s9 =	smul.u32 $0xF7A, s1;
	s8 =	simm.s32 @!p0 $0x1BF5;
	p2 =	por !p2, p0  }
0x20: {  	[sflag:s8] =	ssyncset.s32 @!p0 $0xFFFFF086;
	s6 =	sadd.s32 @!p0 s3, s7;
	s7 =	simm.s32 @!p0 $0x108  }
0x21: {  	s3 =	sadd.s32 s3, s9;
	s6 =	sadd.s32 @!p0 $0x88, s6;
	s7 =	simm.s32 @p2 $0x1082  }
0x22: {  	[simem:s7], [sflag:s8] =	dma.local @!p0 [hbm:s6], $0xF7A  }
0x23: {  	s9 =	sor.u32 $0xD0000000, s2;
	s6 =	simm.s32 $0x108;
	_ =	swait.ge @!p0 [sflag:s8], $0x0  }
0x24: {  	s3 =	sadd.s32 $0x88, s3;
	s6 =	simm.s32 @!p1 $0x1082;
	[sflag:s4] =	ssyncset.s32 $0xFFFFF086  }
0x25: {  	[simem:s6], [sflag:s4] =	dma.local [hbm:s3], $0xF7A  }
0x26: {  	[smem:$0x3F9C] =	sst s1;
	(tag) =	ssettag s2;
	_ =	strace s9  }
0x27: {  	s1 =	sld [smem:$0x3FAC]  }
0x28: {  	s2 =	sld [smem:$0x3FAD]  }
0x29: {  	s4 =	sld [smem:$0x3FAF]  }
0x2a: {  	p0 =	seq.s32 s5, $0x0;
	s5 =	sld [smem:$0x3FB0]  }
0x2b: {  	s6 =	sld [smem:$0x3FB1]  }
0x2c: {  	s7 =	sld [smem:$0x3FB2]  }
0x2d: {  	s3 =	simm.s32 $0x108;
	s8 =	sld [smem:$0x3FB3]  }
0x2e: {  	s3 =	simm.s32 @!p0 $0x1082;
	s9 =	sld [smem:$0x3FB4]  }
0x2f: {  	lr =	sadd.s32 s0, s3;
	s0 =	sld [smem:$0x3FAB]  }
0x30: {  	s3 =	sld [smem:$0x3FAE]  }
0x31: {  	[smem:$0x3FB7] =	sst s10  }
0x32: {  	s10 =	sld [smem:$0x3FB5];
	_ =	sdelay $0x3  }
0x33: {  	p0 =	seq.s32 s10, $0x1;
	s10 =	sld [smem:$0x3FB7];
	_ =	sdelay $0x3  }
0x34: {  	[smem:$0x3FB7] =	sst s10  }
0x35: {  	s10 =	sld [smem:$0x3FB6];
	_ =	sdelay $0x3  }
0x36: {  	p1 =	seq.s32 s10, $0x1;
	s10 =	sld [smem:$0x3FB7];
	_ =	sdelay $0x3  }
0x37: {  	[smem:$0x3FB7] =	sst s10  }
0x38: {  	s10 =	sld [smem:$0x3FB8]  }
0x39: {  	_ = 	snop;
	(pc) =	sbr.ind lr, $3  }
0x3a: {  	_ = 	snop  }
0x3b: {  	_ = 	snop  }
0x3c: {  	p2 =	seq.s32 s10, $0x1;
	s10 =	sld [smem:$0x3FB7]  }
0x3d: {  	_ =	shalt  }
0x3e: {  	_ =	shalt  }
0x3f: {  	_ =	shalt  }
0x40: {  	_ =	shalt  }
0x41: {  	_ =	shalt  }
0x42: {  	_ =	shalt  }
0x43: {  	_ =	shalt  }
0x44: {  	_ =	shalt  }
0x45: {  	_ =	shalt  }
0x46: {  	_ =	shalt  }
0x47: {  	_ =	shalt  }
0x48: {  	_ =	shalt  }
0x49: {  	_ =	shalt  }
0x4a: {  	_ =	shalt  }
0x4b: {  	_ =	shalt  }
0x4c: {  	_ =	shalt  }
0x4d: {  	_ =	shalt  }
0x4e: {  	_ =	shalt  }
0x4f: {  	_ =	shalt  }
0x50: {  	_ =	shalt  }
0x51: {  	_ =	shalt  }
0x52: {  	_ =	shalt  }
0x53: {  	_ =	shalt  }
0x54: {  	_ =	shalt  }
0x55: {  	_ =	shalt  }
0x56: {  	_ =	shalt  }
0x57: {  	_ =	shalt  }
0x58: {  	_ =	shalt  }
0x59: {  	_ =	shalt  }
0x5a: {  	_ =	shalt  }
0x5b: {  	_ =	shalt  }
0x5c: {  	_ =	shalt  }
0x5d: {  	_ =	shalt  }
0x5e: {  	_ =	shalt  }
0x5f: {  	_ =	shalt  }
0x60: {  	_ =	shalt  }
0x61: {  	_ =	shalt  }
0x62: {  	_ =	shalt  }
0x63: {  	_ =	shalt  }
0x64: {  	_ =	shalt  }
0x65: {  	_ =	shalt  }
0x66: {  	_ =	shalt  }
0x67: {  	_ =	shalt  }
0x68: {  	_ =	shalt  }
0x69: {  	_ =	shalt  }
0x6a: {  	_ =	shalt  }
0x6b: {  	_ =	shalt  }
0x6c: {  	_ =	shalt  }
0x6d: {  	_ =	shalt  }
0x6e: {  	_ =	shalt  }
0x6f: {  	_ =	shalt  }
0x70: {  	_ =	shalt  }
0x71: {  	_ =	shalt  }
0x72: {  	_ =	shalt  }
0x73: {  	_ =	shalt  }
0x74: {  	_ =	shalt  }
0x75: {  	_ =	shalt  }
0x76: {  	_ =	shalt  }
0x77: {  	_ =	shalt  }
0x78: {  	_ =	shalt  }
0x79: {  	_ =	shalt  }
0x7a: {  	_ =	shalt  }
0x7b: {  	_ =	shalt  }
0x7c: {  	_ =	shalt  }
0x7d: {  	_ =	shalt  }
0x7e: {  	_ =	shalt  }
0x7f: {  	_ =	shalt  }
0x80: {  	_ =	shalt  }
0x81: {  	_ =	shalt  }
0x82: {  	_ =	shalt  }
0x83: {  	_ =	shalt  }
0x84: {  	_ =	shalt  }
0x85: {  	_ =	shalt  }
0x86: {  	_ =	shalt  }
0x87: {  	_ =	shalt  }
.Lfunc_end0:
.L_simem_size_0:
called_computation_lowered:
.L_overlay_start_0:
0x88: {  	s2 =	sld [smem:$0x3FD9]  }
0x89: {  	s3 =	sld [smem:$0x3FFE];
	_ =	sdelay $0x1  }
0x8a: {  	s1 =	srdreg.scid  }
0x8b: {  	s0 =	sand.u32 $0x1, s1  }
0x8c: {  	s17 =	sshll.u32 s0, $0xA;
	s2 =	sadd.s32 s3, s2  }
0x8d: {  	s2 =	sadd.s32 s2, s17  }
0x8e: {  	[smem:$0x3FC3] =	sst s2  }
0x8f: {  	_ = 	snop  }
0x90: {  	s2 =	sld [smem:$0x3FC6]  }
0x91: {  	s18 =	sld [smem:$0x3FC5]  }
0x92: {  	s4 =	sld [smem:$0x3FD0];
	(tm) =	ssettm $0x1  }
0x93: {  	s5 =	sld [smem:$0x3FFB];
	_ =	sdelay $0x3  }
0x94: {  	_ =	strace s5  }
0x95: {  	s5 =	sld [smem:$0x3FFC];
	_ =	sdelay $0x3  }
0x96: {  	_ =	strace s5  }
0x97: {  	s5 =	sld [smem:$0x3FFD];
	_ =	sdelay $0x3  }
0x98: {  	_ =	strace s5  }
0x99: {  	_ =	strace $0x8FFFFFFF  }
0x9a: {  	s19 =	sld [smem:$0x3FDB];
	_ =	sdelay $0x1  }
0x9b: {  	s6 =	simm.s32 $_scs_section_size  }
0x9c: {  	s7 =	simm.s32 $_size__tile_overlayer_lowered;
	s8 =	simm.s32 $_tile_overlayer_lowered  }
0x9d: {  	s22 =	simm.s32 $0x1BFF;
	s21 =	sshll.u32 s8, $0x1;
	s5 =	sadd.s32 s6, s19  }
0x9e: {  	s9 =	simm.s32 $0x0;
	s20 =	sshll.u32 s7, $0x1;
	s7 =	sadd.s32 s21, s5  }
0x9f: {  	[timem:s9], [sflag:s22] =	dma.local [hbm:s7], s20  }
0xa0: {  	_ =	swait.ge [sflag:s22], s20  }
0xa1: {  	s6 =	ssub.s32 $0x0, s20;
	[sflag:s22] =	ssyncset.done $0x0  }
0xa2: {  	[sflag:s22] =	ssyncadd.s32 s6;
	_ =	sdelay $0x1  }
0xa3: {  	s23 =	simm.s32 $0x1B8B  }
0xa4: {  	_ =	swait.ge [sflag:s23], $0x1  }
0xa5: {  	[sflag:s23] =	ssyncset.done $0x0  }
0xa6: {  	s25 =	simm.s32 $0x1B8E;
	s24 =	sld [smem:$0x3FFE];
	[sflag:s23] =	ssyncadd.s32 $0xFFFFFFFF  }
0xa7: {  	s26 =	simm.s32 $execute0_lowered;
	[smem:$0x3FD2] =	sst s25  }
0xa8: {  	s7 =	sshll.u32 s26, $0x1;
	_ =	strace $0x80000046;
	[dreg:$0x1] =	wrdreg $0xFFFFFFFF  }
0xa9: {  	s28 =	simm.s32 $_size_execute0_lowered;
	s5 =	sadd.s32 s5, s7;
	[dreg:$0x0] =	wrdreg $0x0  }
0xaa: {  	s7 =	sshll.u32 s28, $0x1;
	[dreg:$0x2] =	wrdreg s5  }
0xab: {  	[dreg:$0x3] =	wrdreg s7  }
0xac: {  	[dreg:$0x4] =	wrdreg $0xC0  }
0xad: {  	_ =	task [dreg:s9], $0x5FFFF  }
0xae: {  	[dreg:$0x1] =	wrdreg $0xFFFFFFFF  }
0xaf: {  	[dreg:$0x0] =	wrdreg $0x60  }
0xb0: {  	[dreg:$0x2] =	wrdreg s24  }
0xb1: {  	[dreg:$0x3] =	wrdreg s2  }
0xb2: {  	[dreg:$0x4] =	wrdreg s18  }
0xb3: {  	[dreg:$0x5] =	wrdreg s4  }
0xb4: {  	[dreg:$0x6] =	wrdreg $0x0  }
0xb5: {  	[dreg:$0x7] =	wrdreg $0x9  }
0xb6: {  	_ =	task.clear_ibuf [dreg:s9], $0x8FFFF;
	_ =	strace $0x90000046  }
0xb7: {  	s29 =	simm.s32 $0x9;
	_ =	strace $0x80000048  }
0xb8: {  	_ =	swait.ge [sflag:s29], $0x1  }
0xb9: {  	[sflag:s29] =	ssyncadd.s32 $0xFFFFFFFF  }
0xba: {  	_ =	strace $0x90000048  }
0xbb: {  	_ =	sfence  }
0xbc: {  	s30 =	sld [smem:$0x0];
	_ =	sdelay $0x2  }
0xbd: {  	s31 =	sshll.u32 s1, $0xD;
	s1 =	sshrl.u32 s1, $0x2  }
0xbe: {  	s3 =	sand.u32 $0x4000, s31;
	s1 =	sadd.s32 s1, s30  }
0xbf: {  	s0 =	sor.u32 s3, s0;
	s1 =	sshll.u32 s1, $0x11  }
0xc0: {  	s0 =	sor.u32 s1, s0  }
0xc1: {  	s0 =	sadd.s32 $0x8F2B, s0  }
0xc2: {  	[sflag:s0] =	ssyncadd.remote.s32 $0x1  }
0xc3: {  	_ =	sfence.sel $0xFFFF  }
0xc4: {  	[dreg:$0x0] =	wrdreg $0xFFFFFFFF;
	(pc) =	sbr.abs _section_cstart, $3  }
0xc5: {  	[dreg:$0x1] =	wrdreg $0xFFFFFFFF  }
0xc6: {  	_ =	task.clear_ibuf [dreg:s9], $0x2FFFF;
	_ =	strace $0x9FFFFFFF  }
0xc7: {  	(tm) =	ssettm $0x7FFFFFFF  }
tec
execute0_lowered:
.L_overlay_start_1:
0x0: {  	(tag) =	ssettag $0x1  }
0x1: {  	s0 =	rddreg [dreg:$0x0]  }
0x2: {  	s1 =	rddreg [dreg:$0x2]  }
0x3: {  	s3 =	rddreg [dreg:$0x3]  }
0x4: {  	s2 =	rddreg [dreg:$0x4];
	s4 =	simm.s32 $0x0  }
0x5: {  	s5 =	srdreg.scid;
	s12 =	stileid.u32;
	s17 =	simm.s32 $0x13880  }
0x6: {  	s28 =	simm.s32 $0x1;
	s29 =	simm.s32 $0x64;
	s7 =	smul.u32 $0x4E000, s12  }
0x7: {  	s30 =	simm.s32 $0x2;
	s13 =	simm.s32 $0xF;
	s9 =	smul.u32 $0x2700, s12  }
0x8: {  	[smem:$0x7FF] =	sst s4;
	s5 =	sand.u32 $0x1, s5;
	s11 =	smul.u32 $0x13800, s12  }
0x9: {  	s0 =	sadd.s32 $0xD600, s0;
	s23 =	smul.u32 $0x3400, s12;
	p0 =	seq.s32 s12, $0xF  }
0xa: {  	s31 =	simm.s32 $0x3;
	_ =	strace $0x80000047;
	s18 =	smul.u32 $0x138800, s5  }
0xb: {  	s6 =	sshll.u32 s5, $0x4;
	s8 =	ssub.s32 $0x2, s5;
	s20 =	smul.u32 $0x34000, s5  }
0xc: {  	s5 =	simm.s32 $0x7;
	s6 =	sor.u32 s12, s6;
	s10 =	sshrl.u32 s8, $0x1  }
0xd: {  	s7 =	sshrl.u32 s7, $0x2;
	s9 =	sadd.s32 s1, s9;
	s1 =	sadd.s32 $0x24900, s1  }
0xe: {  	s6 =	smul.u32 $0x3400, s6;
	s8 =	ssub.s32 s8, s10;
	[dreg:$0x7] =	wrdreg s9  }
0xf: {  	s7 =	sadd.s32 s7, s2;
	s10 =	sadd.s32 $0x124800, s2;
	[dreg:$0x8] =	wrdreg s1  }
0x10: {  	s24 =	sadd.s32 s11, s18;
	s9 =	sshrl.u32 s18, $0x3;
	s1 =	sadd.s32 s23, s20  }
0x11: {  	s11 =	simm.s32 $0xD;
	s18 =	simm.s32 $0x10;
	s20 =	simm.s32 $0x0  }
0x12: {  	s9 =	sadd.s32 s3, s9;
	s1 =	sshrl.u32 s1, $0x3;
	s26 =	smax.u32 s8, $0x1  }
0x13: {  	s16 =	sshrl.u32 @!p0 s7, $0x3;
	s7 =	simm.s32 $0x9;
	s8 =	simm.s32 $0xA  }
0x14: {  	s6 =	sshrl.u32 s6, $0x3;
	s25 =	sadd.s32 $0x24900, s9;
	[dreg:$0xf] =	wrdreg s26  }
0x15: {  	s9 =	simm.s32 $0xB;
	[dreg:$0x12] =	wrdreg s16;
	s26 =	simm.s32 $0x16F80  }
0x16: {  	s6 =	sadd.s32 s0, s6;
	[dreg:$0xe] =	wrdreg s25;
	s0 =	sadd.s32 s1, s0  }
0x17: {  	s1 =	simm.s32 $0x6;
	s19 =	sadd.s32 $0x600, s6;
	[dreg:$0x6] =	wrdreg s0  }
0x18: {  	s25 =	simm.s32 $0x16F00;
	s21 =	sadd.s32 $0x610, s6;
	[dreg:$0x9] =	wrdreg s19  }
0x19: {  	s22 =	sadd.s32 $0x620, s6;
	s6 =	sadd.s32 $0x630, s6;
	[dreg:$0xa] =	wrdreg s21  }
0x1a: {  	s0 =	sshll.u32 @!p0 s12, $0x6;
	s12 =	simm.s32 $0xE;
	[dreg:$0xb] =	wrdreg s22  }
0x1b: {  	[dreg:$0xc] =	wrdreg s6;
	s6 =	sshrl.u32 s24, $0x3;
	s21 =	sshrl.u32 @p0 s10, $0x3  }
0x1c: {  	s19 =	sor.u32 @!p0 $0x1C11, s0;
	s0 =	simm.s32 $0x4;
	[dreg:$0x10] =	wrdreg s21  }
0x1d: {  	s10 =	simm.s32 $0xC;
	s3 =	sadd.s32 s3, s6;
	[dreg:$0x11] =	wrdreg s19  }
0x1e: {  	s6 =	simm.s32 $0x8;
	[dreg:$0xd] =	wrdreg s3;
	s3 =	simm.s32 $0x5  }
.LBB2_1:
0x1f: {  	[dreg:$0x13] =	wrdreg s20  }
0x20: {  	s14 =	simm.s32 @p0 $0x1FD1;
	s15 =	rddreg [dreg:$0x8]  }
0x21: {  	[spmem:s21], [sflag:s14] =	dma.local @p0 [hbm:s15], $0x2800  }
0x22: {  	s14 =	simm.s32 @p0 $0x11  }
0x23: {  	_ =	swait.ge @p0 [sflag:s14], $0x2800  }
0x24: {  	[sflag:s14] =	ssyncset.done @p0 $0x0  }
0x25: {  	[sflag:s14] =	ssyncadd.s32 @p0 $0xFFFFD800;
	s14 =	rddreg [dreg:$0x7]  }
0x26: {  	[spmem:s16], [sflag:s19] =	dma.local @!p0 [hbm:s14], $0x2700  }
0x27: {  	s14 =	simm.s32 @!p0 $0x11  }
0x28: {  	_ =	swait.ge @!p0 [sflag:s14], $0x2700  }
0x29: {  	[sflag:s14] =	ssyncset.done @!p0 $0x0  }
0x2a: {  	[sflag:s14] =	ssyncadd.s32 @!p0 $0xFFFFD900  }
0x2b: {  	s16 =	simm.s32 $0x11;
	s14 =	rddreg [dreg:$0x1]  }
0x2c: {  	[tilespmem:s17], [sflag:$0x11] =	stream.linear.gather [hbm4b:s14+s4], $0x3200, $0x38;
	[tilespmem:$0x17080] =	vst v63  }
0x2d: {  	_ =	swait.ge [sflag:s16], $0x3200  }
0x2e: {  	[sflag:s16] =	ssyncset.done $0x0  }
0x2f: {  	[sflag:s16] =	ssyncadd.s32 $0xFFFFCE00  }
0x30: {  	[bflag:$0x0] =	sbarrier.arrive $0xFFFF  }
0x31: {  	s19 =	rddreg [dreg:$0x6]  }
0x32: {  	s16 =	simm.s32 $0x16C80;
	s14 =	sadd.s32 $0x0, s19  }
0x33: {  	[tilespmem:s16], [sflag:$0x1] =	stream.linear.gather [hbm4b:s14+s4], $0x80, $0x38;
	[tilespmem:$0x17080] =	vst v63  }
0x34: {  	s19 =	simm.s32 $0x16D00;
	s20 =	sadd.s32 $0x10, s14  }
0x35: {  	[tilespmem:s19], [sflag:$0x2] =	stream.linear.gather [hbm4b:s20+s4], $0x80, $0x38;
	[tilespmem:$0x17080] =	vst v63  }
0x36: {  	s21 =	sadd.s32 $0x20, s14;
	s20 =	simm.s32 $0x16D80  }
0x37: {  	[tilespmem:s20], [sflag:$0x3] =	stream.linear.gather [hbm4b:s21+s4], $0x80, $0x38;
	[tilespmem:$0x17080] =	vst v63  }
0x38: {  	s22 =	sadd.s32 $0x30, s14;
	s21 =	simm.s32 $0x16E00  }
0x39: {  	[tilespmem:s21], [sflag:$0x4] =	stream.linear.gather [hbm4b:s22+s4], $0x80, $0x38;
	[tilespmem:$0x17080] =	vst v63  }
0x3a: {  	s23 =	sadd.s32 $0x40, s14;
	s22 =	simm.s32 $0x16E80  }
0x3b: {  	[tilespmem:s22], [sflag:$0x5] =	stream.linear.gather [hbm4b:s23+s4], $0x80, $0x38;
	[tilespmem:$0x17080] =	vst v63  }
0x3c: {  	s24 =	sadd.s32 $0x50, s14;
	s23 =	simm.s32 $0x16F00  }
0x3d: {  	[tilespmem:s23], [sflag:$0x6] =	stream.linear.gather [hbm4b:s24+s4], $0x80, $0x38;
	[tilespmem:$0x17080] =	vst v63  }
0x3e: {  	s15 =	sadd.s32 $0x60, s14;
	s24 =	simm.s32 $0x16F80  }
0x3f: {  	[tilespmem:s24], [sflag:$0x7] =	stream.linear.gather [hbm4b:s15+s4], $0x80, $0x38;
	[tilespmem:$0x17080] =	vst v63  }
0x40: {  	s14 =	sadd.s32 $0x70, s14;
	s15 =	simm.s32 $0x17000  }
0x41: {  	[tilespmem:s15], [sflag:$0x8] =	stream.linear.gather [hbm4b:s14+s4], $0x80, $0x38;
	[tilespmem:$0x17080] =	vst v63  }
0x42: {  	_ =	swait.ge [sflag:s28], $0x80  }
0x43: {  	[sflag:s28] =	ssyncset.done $0x0  }
0x44: {  	[sflag:s28] =	ssyncadd.s32 $0xFFFFFF80  }
0x45: {  	[spmem:s2] =	stream.indirect.scatter.add.f32 [tilespmem:s17], [sflag:$0x9], $0x80, s16, s29, $0xb8;
	[tilespmem:$0x17080] =	vst v63  }
0x46: {  	_ =	swait.ge [sflag:s30], $0x80  }
0x47: {  	[sflag:s30] =	ssyncset.done $0x0  }
0x48: {  	[sflag:s30] =	ssyncadd.s32 $0xFFFFFF80  }
0x49: {  	[spmem:s2] =	stream.indirect.scatter.add.f32 [tilespmem:s17], [sflag:$0xA], $0x80, s19, s29, $0xb8;
	[tilespmem:$0x17080] =	vst v63  }
0x4a: {  	_ =	swait.ge [sflag:s31], $0x80  }
0x4b: {  	[sflag:s31] =	ssyncset.done $0x0  }
0x4c: {  	[sflag:s31] =	ssyncadd.s32 $0xFFFFFF80  }
0x4d: {  	[spmem:s2] =	stream.indirect.scatter.add.f32 [tilespmem:s17], [sflag:$0xB], $0x80, s20, s29, $0xb8;
	[tilespmem:$0x17080] =	vst v63  }
0x4e: {  	_ =	swait.ge [sflag:s0], $0x80  }
0x4f: {  	[sflag:s0] =	ssyncset.done $0x0  }
0x50: {  	[sflag:s0] =	ssyncadd.s32 $0xFFFFFF80  }
0x51: {  	[spmem:s2] =	stream.indirect.scatter.add.f32 [tilespmem:s17], [sflag:$0xC], $0x80, s21, s29, $0xb8;
	[tilespmem:$0x17080] =	vst v63  }
0x52: {  	_ =	swait.ge [sflag:s3], $0x80  }
0x53: {  	[sflag:s3] =	ssyncset.done $0x0  }
0x54: {  	[sflag:s3] =	ssyncadd.s32 $0xFFFFFF80  }
0x55: {  	[spmem:s2] =	stream.indirect.scatter.add.f32 [tilespmem:s17], [sflag:$0xD], $0x80, s22, s29, $0xb8;
	[tilespmem:$0x17080] =	vst v63  }
0x56: {  	_ =	swait.ge [sflag:s1], $0x80  }
0x57: {  	[sflag:s1] =	ssyncset.done $0x0  }
0x58: {  	[sflag:s1] =	ssyncadd.s32 $0xFFFFFF80  }
0x59: {  	[spmem:s2] =	stream.indirect.scatter.add.f32 [tilespmem:s17], [sflag:$0xE], $0x80, s23, s29, $0xb8;
	[tilespmem:$0x17080] =	vst v63  }
0x5a: {  	_ =	swait.ge [sflag:s5], $0x80  }
0x5b: {  	[sflag:s5] =	ssyncset.done $0x0  }
0x5c: {  	[sflag:s5] =	ssyncadd.s32 $0xFFFFFF80  }
0x5d: {  	[spmem:s2] =	stream.indirect.scatter.add.f32 [tilespmem:s17], [sflag:$0xF], $0x80, s24, s29, $0xb8;
	[tilespmem:$0x17080] =	vst v63  }
0x5e: {  	_ =	swait.ge [sflag:s6], $0x80  }
0x5f: {  	[sflag:s6] =	ssyncset.done $0x0  }
0x60: {  	[sflag:s6] =	ssyncadd.s32 $0xFFFFFF80  }
0x61: {  	[spmem:s2] =	stream.indirect.scatter.add.f32 [tilespmem:s17], [sflag:$0x10], $0x80, s15, s29, $0xb8;
	[tilespmem:$0x17080] =	vst v63  }
0x62: {  	_ =	swait.ge [sflag:s7], $0x3200  }
0x63: {  	[sflag:s7] =	ssyncset.done $0x0  }
0x64: {  	[sflag:s7] =	ssyncadd.s32 $0xFFFFCE00  }
0x65: {  	_ =	swait.ge [sflag:s8], $0x3200  }
0x66: {  	[sflag:s8] =	ssyncset.done $0x0  }
0x67: {  	[sflag:s8] =	ssyncadd.s32 $0xFFFFCE00  }
0x68: {  	_ =	swait.ge [sflag:s9], $0x3200  }
0x69: {  	[sflag:s9] =	ssyncset.done $0x0  }
0x6a: {  	[sflag:s9] =	ssyncadd.s32 $0xFFFFCE00  }
0x6b: {  	_ =	swait.ge [sflag:s10], $0x3200  }
0x6c: {  	[sflag:s10] =	ssyncset.done $0x0  }
0x6d: {  	[sflag:s10] =	ssyncadd.s32 $0xFFFFCE00  }
0x6e: {  	_ =	swait.ge [sflag:s11], $0x3200  }
0x6f: {  	[sflag:s11] =	ssyncset.done $0x0  }
0x70: {  	[sflag:s11] =	ssyncadd.s32 $0xFFFFCE00  }
0x71: {  	_ =	swait.ge [sflag:s12], $0x3200  }
0x72: {  	[sflag:s12] =	ssyncset.done $0x0  }
0x73: {  	[sflag:s12] =	ssyncadd.s32 $0xFFFFCE00  }
0x74: {  	_ =	swait.ge [sflag:s13], $0x3200  }
0x75: {  	[sflag:s13] =	ssyncset.done $0x0  }
0x76: {  	[sflag:s13] =	ssyncadd.s32 $0xFFFFCE00  }
0x77: {  	s16 =	simm.s32 $0x100;
	_ =	swait.ge [sflag:s18], $0x3200  }
0x78: {  	s15 =	simm.s32 $0x80;
	s14 =	rddreg [dreg:$0x6];
	[sflag:s18] =	ssyncset.done $0x0  }
.LBB2_2:
0x79: {  	[sflag:s18] =	ssyncadd.s32 $0xFFFFCE00;
	s14 =	sadd.s32 s15, s14;
	s20 =	simm.s32 $0x16C80  }
0x7a: {  	[tilespmem:s20], [sflag:$0x1] =	stream.linear.gather [hbm4b:s14+s4], $0x80, $0x38;
	[tilespmem:$0x17080] =	vst v63  }
0x7b: {  	s21 =	simm.s32 $0x16D00;
	s22 =	sadd.s32 $0x10, s14  }
0x7c: {  	[tilespmem:s21], [sflag:$0x2] =	stream.linear.gather [hbm4b:s22+s4], $0x80, $0x38;
	[tilespmem:$0x17080] =	vst v63  }
0x7d: {  	s23 =	sadd.s32 $0x20, s14;
	s22 =	simm.s32 $0x16D80  }
0x7e: {  	[tilespmem:s22], [sflag:$0x3] =	stream.linear.gather [hbm4b:s23+s4], $0x80, $0x38;
	[tilespmem:$0x17080] =	vst v63  }
0x7f: {  	s19 =	smov.u32 s16;
	s24 =	sadd.s32 $0x30, s14;
	s23 =	simm.s32 $0x16E00  }
0x80: {  	[tilespmem:s23], [sflag:$0x4] =	stream.linear.gather [hbm4b:s24+s4], $0x80, $0x38;
	[tilespmem:$0x17080] =	vst v63  }
0x81: {  	s15 =	smov.u32 s19;
	s19 =	sadd.s32 $0x40, s14;
	s24 =	simm.s32 $0x16E80  }
0x82: {  	[tilespmem:s24], [sflag:$0x5] =	stream.linear.gather [hbm4b:s19+s4], $0x80, $0x38;
	[tilespmem:$0x17080] =	vst v63  }
0x83: {  	s19 =	sadd.s32 $0x50, s14  }
0x84: {  	[tilespmem:s25], [sflag:$0x6] =	stream.linear.gather [hbm4b:s19+s4], $0x80, $0x38;
	[tilespmem:$0x17080] =	vst v63  }
0x85: {  	s19 =	sadd.s32 $0x60, s14  }
0x86: {  	[tilespmem:s26], [sflag:$0x7] =	stream.linear.gather [hbm4b:s19+s4], $0x80, $0x38;
	[tilespmem:$0x17080] =	vst v63  }
0x87: {  	s14 =	sadd.s32 $0x70, s14;
	s19 =	simm.s32 $0x17000  }
0x88: {  	[tilespmem:s19], [sflag:$0x8] =	stream.linear.gather [hbm4b:s14+s4], $0x80, $0x38;
	[tilespmem:$0x17080] =	vst v63  }
0x89: {  	_ =	swait.ge [sflag:s28], $0x80  }
0x8a: {  	[sflag:s28] =	ssyncset.done $0x0  }
0x8b: {  	[sflag:s28] =	ssyncadd.s32 $0xFFFFFF80  }
0x8c: {  	[spmem:s2] =	stream.indirect.scatter.add.f32 [tilespmem:s17], [sflag:$0x9], $0x80, s20, s29, $0xb8;
	[tilespmem:$0x17080] =	vst v63  }
0x8d: {  	_ =	swait.ge [sflag:s30], $0x80  }
0x8e: {  	[sflag:s30] =	ssyncset.done $0x0  }
0x8f: {  	[sflag:s30] =	ssyncadd.s32 $0xFFFFFF80  }
0x90: {  	[spmem:s2] =	stream.indirect.scatter.add.f32 [tilespmem:s17], [sflag:$0xA], $0x80, s21, s29, $0xb8;
	[tilespmem:$0x17080] =	vst v63  }
0x91: {  	_ =	swait.ge [sflag:s31], $0x80  }
0x92: {  	[sflag:s31] =	ssyncset.done $0x0  }
0x93: {  	[sflag:s31] =	ssyncadd.s32 $0xFFFFFF80  }
0x94: {  	[spmem:s2] =	stream.indirect.scatter.add.f32 [tilespmem:s17], [sflag:$0xB], $0x80, s22, s29, $0xb8;
	[tilespmem:$0x17080] =	vst v63  }
0x95: {  	_ =	swait.ge [sflag:s0], $0x80  }
0x96: {  	[sflag:s0] =	ssyncset.done $0x0  }
0x97: {  	[sflag:s0] =	ssyncadd.s32 $0xFFFFFF80  }
0x98: {  	[spmem:s2] =	stream.indirect.scatter.add.f32 [tilespmem:s17], [sflag:$0xC], $0x80, s23, s29, $0xb8;
	[tilespmem:$0x17080] =	vst v63  }
0x99: {  	_ =	swait.ge [sflag:s3], $0x80  }
0x9a: {  	[sflag:s3] =	ssyncset.done $0x0  }
0x9b: {  	[sflag:s3] =	ssyncadd.s32 $0xFFFFFF80  }
0x9c: {  	[spmem:s2] =	stream.indirect.scatter.add.f32 [tilespmem:s17], [sflag:$0xD], $0x80, s24, s29, $0xb8;
	[tilespmem:$0x17080] =	vst v63  }
0x9d: {  	_ =	swait.ge [sflag:s1], $0x80  }
0x9e: {  	[sflag:s1] =	ssyncset.done $0x0  }
0x9f: {  	[sflag:s1] =	ssyncadd.s32 $0xFFFFFF80  }
0xa0: {  	[spmem:s2] =	stream.indirect.scatter.add.f32 [tilespmem:s17], [sflag:$0xE], $0x80, s25, s29, $0xb8;
	[tilespmem:$0x17080] =	vst v63  }
0xa1: {  	_ =	swait.ge [sflag:s5], $0x80  }
0xa2: {  	[sflag:s5] =	ssyncset.done $0x0  }
0xa3: {  	[sflag:s5] =	ssyncadd.s32 $0xFFFFFF80  }
0xa4: {  	[spmem:s2] =	stream.indirect.scatter.add.f32 [tilespmem:s17], [sflag:$0xF], $0x80, s26, s29, $0xb8;
	[tilespmem:$0x17080] =	vst v63  }
0xa5: {  	_ =	swait.ge [sflag:s6], $0x80  }
0xa6: {  	[sflag:s6] =	ssyncset.done $0x0  }
0xa7: {  	[sflag:s6] =	ssyncadd.s32 $0xFFFFFF80  }
0xa8: {  	[spmem:s2] =	stream.indirect.scatter.add.f32 [tilespmem:s17], [sflag:$0x10], $0x80, s19, s29, $0xb8;
	[tilespmem:$0x17080] =	vst v63  }
0xa9: {  	_ =	swait.ge [sflag:s7], $0x3200  }
0xaa: {  	[sflag:s7] =	ssyncset.done $0x0  }
0xab: {  	[sflag:s7] =	ssyncadd.s32 $0xFFFFCE00  }
0xac: {  	_ =	swait.ge [sflag:s8], $0x3200  }
0xad: {  	[sflag:s8] =	ssyncset.done $0x0  }
0xae: {  	[sflag:s8] =	ssyncadd.s32 $0xFFFFCE00  }
0xaf: {  	_ =	swait.ge [sflag:s9], $0x3200  }
0xb0: {  	[sflag:s9] =	ssyncset.done $0x0  }
0xb1: {  	[sflag:s9] =	ssyncadd.s32 $0xFFFFCE00  }
0xb2: {  	_ =	swait.ge [sflag:s10], $0x3200  }
0xb3: {  	[sflag:s10] =	ssyncset.done $0x0  }
0xb4: {  	[sflag:s10] =	ssyncadd.s32 $0xFFFFCE00  }
0xb5: {  	_ =	swait.ge [sflag:s11], $0x3200  }
0xb6: {  	[sflag:s11] =	ssyncset.done $0x0  }
0xb7: {  	[sflag:s11] =	ssyncadd.s32 $0xFFFFCE00  }
0xb8: {  	_ =	swait.ge [sflag:s12], $0x3200  }
0xb9: {  	[sflag:s12] =	ssyncset.done $0x0  }
0xba: {  	p1 =	sne.s32 s16, $0x580;
	[sflag:s12] =	ssyncadd.s32 $0xFFFFCE00  }
.Ltmp0:
0xbb: {  	_ =	swait.ge [sflag:s13], $0x3200;
	(pc) =	sbr.rel @p1 .LBB2_2-.Ltmp0, $4  }
0xbc: {  	[sflag:s13] =	ssyncset.done $0x0  }
0xbd: {  	[sflag:s13] =	ssyncadd.s32 $0xFFFFCE00  }
0xbe: {  	_ =	swait.ge [sflag:s18], $0x3200  }
0xbf: {  	s16 =	sadd.s32 $0x80, s16;
	s14 =	rddreg [dreg:$0x6];
	[sflag:s18] =	ssyncset.done $0x0  }
0xc0: {  	[sflag:s18] =	ssyncadd.s32 $0xFFFFCE00;
	s14 =	sadd.s32 s15, s14;
	s16 =	simm.s32 $0x16C80  }
0xc1: {  	[tilespmem:s16], [sflag:$0x1] =	stream.linear.gather [hbm4b:s14+s4], $0x80, $0x38;
	[tilespmem:$0x17080] =	vst v63  }
0xc2: {  	s19 =	simm.s32 $0x16D00;
	s15 =	sadd.s32 $0x10, s14  }
0xc3: {  	[tilespmem:s19], [sflag:$0x2] =	stream.linear.gather [hbm4b:s15+s4], $0x80, $0x38;
	[tilespmem:$0x17080] =	vst v63  }
0xc4: {  	s20 =	simm.s32 $0x16D80;
	s21 =	sadd.s32 $0x20, s14  }
0xc5: {  	[tilespmem:s20], [sflag:$0x3] =	stream.linear.gather [hbm4b:s21+s4], $0x80, $0x38;
	[tilespmem:$0x17080] =	vst v63  }
0xc6: {  	s22 =	sadd.s32 $0x30, s14;
	s21 =	simm.s32 $0x16E00  }
0xc7: {  	[tilespmem:s21], [sflag:$0x4] =	stream.linear.gather [hbm4b:s22+s4], $0x80, $0x38;
	[tilespmem:$0x17080] =	vst v63  }
0xc8: {  	s23 =	sadd.s32 $0x40, s14;
	s22 =	simm.s32 $0x16E80  }
0xc9: {  	[tilespmem:s22], [sflag:$0x5] =	stream.linear.gather [hbm4b:s23+s4], $0x80, $0x38;
	[tilespmem:$0x17080] =	vst v63  }
0xca: {  	s24 =	sadd.s32 $0x50, s14;
	s23 =	simm.s32 $0x16F00  }
0xcb: {  	[tilespmem:s23], [sflag:$0x6] =	stream.linear.gather [hbm4b:s24+s4], $0x80, $0x38;
	[tilespmem:$0x17080] =	vst v63  }
0xcc: {  	s15 =	sadd.s32 $0x60, s14;
	s24 =	simm.s32 $0x16F80  }
0xcd: {  	[tilespmem:s24], [sflag:$0x7] =	stream.linear.gather [hbm4b:s15+s4], $0x80, $0x38;
	[tilespmem:$0x17080] =	vst v63  }
0xce: {  	s14 =	sadd.s32 $0x70, s14;
	s15 =	simm.s32 $0x17000  }
0xcf: {  	[tilespmem:s15], [sflag:$0x8] =	stream.linear.gather [hbm4b:s14+s4], $0x80, $0x38;
	[tilespmem:$0x17080] =	vst v63  }
0xd0: {  	_ =	swait.ge [sflag:s28], $0x80  }
0xd1: {  	[sflag:s28] =	ssyncset.done $0x0  }
0xd2: {  	[sflag:s28] =	ssyncadd.s32 $0xFFFFFF80  }
0xd3: {  	[spmem:s2] =	stream.indirect.scatter.add.f32 [tilespmem:s17], [sflag:$0x9], $0x80, s16, s29, $0xb8;
	[tilespmem:$0x17080] =	vst v63  }
0xd4: {  	_ =	swait.ge [sflag:s30], $0x80  }
0xd5: {  	[sflag:s30] =	ssyncset.done $0x0  }
0xd6: {  	[sflag:s30] =	ssyncadd.s32 $0xFFFFFF80  }
0xd7: {  	[spmem:s2] =	stream.indirect.scatter.add.f32 [tilespmem:s17], [sflag:$0xA], $0x80, s19, s29, $0xb8;
	[tilespmem:$0x17080] =	vst v63  }
0xd8: {  	_ =	swait.ge [sflag:s31], $0x80  }
0xd9: {  	[sflag:s31] =	ssyncset.done $0x0  }
0xda: {  	[sflag:s31] =	ssyncadd.s32 $0xFFFFFF80  }
0xdb: {  	[spmem:s2] =	stream.indirect.scatter.add.f32 [tilespmem:s17], [sflag:$0xB], $0x80, s20, s29, $0xb8;
	[tilespmem:$0x17080] =	vst v63  }
0xdc: {  	_ =	swait.ge [sflag:s0], $0x80  }
0xdd: {  	[sflag:s0] =	ssyncset.done $0x0  }
0xde: {  	[sflag:s0] =	ssyncadd.s32 $0xFFFFFF80  }
0xdf: {  	[spmem:s2] =	stream.indirect.scatter.add.f32 [tilespmem:s17], [sflag:$0xC], $0x80, s21, s29, $0xb8;
	[tilespmem:$0x17080] =	vst v63  }
0xe0: {  	_ =	swait.ge [sflag:s3], $0x80  }
0xe1: {  	[sflag:s3] =	ssyncset.done $0x0  }
0xe2: {  	[sflag:s3] =	ssyncadd.s32 $0xFFFFFF80  }
0xe3: {  	[spmem:s2] =	stream.indirect.scatter.add.f32 [tilespmem:s17], [sflag:$0xD], $0x80, s22, s29, $0xb8;
	[tilespmem:$0x17080] =	vst v63  }
0xe4: {  	_ =	swait.ge [sflag:s1], $0x80  }
0xe5: {  	[sflag:s1] =	ssyncset.done $0x0  }
0xe6: {  	[sflag:s1] =	ssyncadd.s32 $0xFFFFFF80  }
0xe7: {  	[spmem:s2] =	stream.indirect.scatter.add.f32 [tilespmem:s17], [sflag:$0xE], $0x80, s23, s29, $0xb8;
	[tilespmem:$0x17080] =	vst v63  }
0xe8: {  	_ =	swait.ge [sflag:s5], $0x80  }
0xe9: {  	[sflag:s5] =	ssyncset.done $0x0  }
0xea: {  	[sflag:s5] =	ssyncadd.s32 $0xFFFFFF80  }
0xeb: {  	[spmem:s2] =	stream.indirect.scatter.add.f32 [tilespmem:s17], [sflag:$0xF], $0x80, s24, s29, $0xb8;
	[tilespmem:$0x17080] =	vst v63  }
0xec: {  	_ =	swait.ge [sflag:s6], $0x80  }
0xed: {  	[sflag:s6] =	ssyncset.done $0x0  }
0xee: {  	[sflag:s6] =	ssyncadd.s32 $0xFFFFFF80  }
0xef: {  	[spmem:s2] =	stream.indirect.scatter.add.f32 [tilespmem:s17], [sflag:$0x10], $0x80, s15, s29, $0xb8;
	[tilespmem:$0x17080] =	vst v63  }
0xf0: {  	_ =	swait.ge [sflag:s7], $0x3200  }
0xf1: {  	[sflag:s7] =	ssyncset.done $0x0  }
0xf2: {  	[sflag:s7] =	ssyncadd.s32 $0xFFFFCE00  }
0xf3: {  	_ =	swait.ge [sflag:s8], $0x3200  }
0xf4: {  	[sflag:s8] =	ssyncset.done $0x0  }
0xf5: {  	[sflag:s8] =	ssyncadd.s32 $0xFFFFCE00  }
0xf6: {  	_ =	swait.ge [sflag:s9], $0x3200  }
0xf7: {  	[sflag:s9] =	ssyncset.done $0x0  }
0xf8: {  	[sflag:s9] =	ssyncadd.s32 $0xFFFFCE00  }
0xf9: {  	_ =	swait.ge [sflag:s10], $0x3200  }
0xfa: {  	[sflag:s10] =	ssyncset.done $0x0  }
0xfb: {  	[sflag:s10] =	ssyncadd.s32 $0xFFFFCE00  }
0xfc: {  	_ =	swait.ge [sflag:s11], $0x3200  }
0xfd: {  	[sflag:s11] =	ssyncset.done $0x0  }
0xfe: {  	[sflag:s11] =	ssyncadd.s32 $0xFFFFCE00  }
0xff: {  	_ =	swait.ge [sflag:s12], $0x3200  }
0x100: {  	[sflag:s12] =	ssyncset.done $0x0  }
0x101: {  	[sflag:s12] =	ssyncadd.s32 $0xFFFFCE00  }
0x102: {  	_ =	swait.ge [sflag:s13], $0x3200  }
0x103: {  	[sflag:s13] =	ssyncset.done $0x0  }
0x104: {  	[sflag:s13] =	ssyncadd.s32 $0xFFFFCE00  }
0x105: {  	_ =	swait.ge [sflag:s18], $0x3200  }
0x106: {  	[sflag:s18] =	ssyncset.done $0x0  }
0x107: {  	s23 =	rddreg [dreg:$0x9];
	[sflag:s18] =	ssyncadd.s32 $0xFFFFCE00  }
0x108: {  	[tilespmem:s16], [sflag:$0x1] =	stream.linear.gather [hbm4b:s23+s4], $0x80, $0x38;
	[tilespmem:$0x17080] =	vst v63  }
0x109: {  	s24 =	rddreg [dreg:$0xa]  }
0x10a: {  	[tilespmem:s19], [sflag:$0x2] =	stream.linear.gather [hbm4b:s24+s4], $0x80, $0x38;
	[tilespmem:$0x17080] =	vst v63  }
0x10b: {  	s15 =	rddreg [dreg:$0xb]  }
0x10c: {  	[tilespmem:s20], [sflag:$0x3] =	stream.linear.gather [hbm4b:s15+s4], $0x80, $0x38;
	[tilespmem:$0x17080] =	vst v63  }
0x10d: {  	s22 =	rddreg [dreg:$0xc]  }
0x10e: {  	[tilespmem:s21], [sflag:$0x4] =	stream.linear.gather [hbm4b:s22+s4], $0x80, $0x38;
	[tilespmem:$0x17080] =	vst v63  }
0x10f: {  	_ =	swait.ge [sflag:s28], $0x80  }
0x110: {  	[sflag:s28] =	ssyncset.done $0x0  }
0x111: {  	[sflag:s28] =	ssyncadd.s32 $0xFFFFFF80  }
0x112: {  	[spmem:s2] =	stream.indirect.scatter.add.f32 [tilespmem:s17], [sflag:$0x9], $0x80, s16, s29, $0xb8;
	[tilespmem:$0x17080] =	vst v63  }
0x113: {  	_ =	swait.ge [sflag:s30], $0x80  }
0x114: {  	[sflag:s30] =	ssyncset.done $0x0  }
0x115: {  	[sflag:s30] =	ssyncadd.s32 $0xFFFFFF80  }
0x116: {  	[spmem:s2] =	stream.indirect.scatter.add.f32 [tilespmem:s17], [sflag:$0xA], $0x80, s19, s29, $0xb8;
	[tilespmem:$0x17080] =	vst v63  }
0x117: {  	_ =	swait.ge [sflag:s31], $0x80  }
0x118: {  	[sflag:s31] =	ssyncset.done $0x0  }
0x119: {  	[sflag:s31] =	ssyncadd.s32 $0xFFFFFF80  }
0x11a: {  	[spmem:s2] =	stream.indirect.scatter.add.f32 [tilespmem:s17], [sflag:$0xB], $0x80, s20, s29, $0xb8;
	[tilespmem:$0x17080] =	vst v63  }
0x11b: {  	_ =	swait.ge [sflag:s0], $0x80  }
0x11c: {  	[sflag:s0] =	ssyncset.done $0x0  }
0x11d: {  	[sflag:s0] =	ssyncadd.s32 $0xFFFFFF80  }
0x11e: {  	[spmem:s2] =	stream.indirect.scatter.add.f32 [tilespmem:s17], [sflag:$0xC], $0x80, s21, s29, $0xb8;
	[tilespmem:$0x17080] =	vst v63  }
0x11f: {  	_ =	swait.ge [sflag:s7], $0x3200  }
0x120: {  	[sflag:s7] =	ssyncset.done $0x0  }
0x121: {  	[sflag:s7] =	ssyncadd.s32 $0xFFFFCE00  }
0x122: {  	_ =	swait.ge [sflag:s8], $0x3200  }
0x123: {  	[sflag:s8] =	ssyncset.done $0x0  }
0x124: {  	[sflag:s8] =	ssyncadd.s32 $0xFFFFCE00  }
0x125: {  	_ =	swait.ge [sflag:s9], $0x3200  }
0x126: {  	[sflag:s9] =	ssyncset.done $0x0  }
0x127: {  	[sflag:s9] =	ssyncadd.s32 $0xFFFFCE00  }
0x128: {  	_ =	swait.ge [sflag:s10], $0x3200  }
0x129: {  	[sflag:s10] =	ssyncset.done $0x0  }
0x12a: {  	[sflag:s10] =	ssyncadd.s32 $0xFFFFCE00  }
0x12b: {  	[bflag:$0x0] =	sbarrier.arrive $0xFFFF  }
0x12c: {  	s15 =	rddreg [dreg:$0xe]  }
0x12d: {  	s14 =	simm.s32 @p0 $0x1FD1;
	s21 =	rddreg [dreg:$0x10]  }
0x12e: {  	[hbm:s15], [sflag:s14] =	dma.local @p0 [spmem:s21], $0x2800  }
0x12f: {  	s14 =	simm.s32 @p0 $0x11  }
0x130: {  	_ =	swait.ge @p0 [sflag:s14], $0x2800  }
0x131: {  	s19 =	rddreg [dreg:$0x11]  }
0x132: {  	[sflag:s14] =	ssyncset.done @p0 $0x0;
	s16 =	rddreg [dreg:$0x12]  }
0x133: {  	[sflag:s14] =	ssyncadd.s32 @p0 $0xFFFFD800;
	s14 =	rddreg [dreg:$0xd]  }
0x134: {  	[hbm:s14], [sflag:s19] =	dma.local @!p0 [spmem:s16], $0x2700  }
0x135: {  	s14 =	simm.s32 @!p0 $0x11  }
0x136: {  	_ =	swait.ge @!p0 [sflag:s14], $0x2700  }
0x137: {  	s23 =	rddreg [dreg:$0x13]  }
0x138: {  	s24 =	rddreg [dreg:$0xf];
	s20 =	sadd.s32 $0x1, s23  }
0x139: {  	p1 =	sne.s32 s20, s24  }
.Ltmp1:
0x13a: {  	_ = 	snop;
	(pc) =	sbr.rel @p1 .LBB2_1-.Ltmp1, $3  }
0x13b: {  	_ =	sdelay $0x1  }
0x13c: {  	[sflag:s14] =	ssyncset.done @!p0 $0x0  }
0x13d: {  	[sflag:s14] =	ssyncadd.s32 @!p0 $0xFFFFD900  }
0x13e: {  	_ =	sfence.sel $0x180000  }
0x13f: {  	[bflag:$0x0] =	sbarrier.arrive $0xFFFF  }
0x140: {  	_ =	strace $0x90000047  }
0x141: {  	s0 =	stileid.u32;
	[bflag:$0x2] =	sbarrier.arrive $0xFFFF  }
0x142: {  	p0 =	sne.s32 s0, $0x0;
	s0 =	rddreg [dreg:$0x5]  }
0x143: {  	s0 =	sadd.s32 @!p0 $0x100000, s0  }
0x144: {  	[sflag:s0] =	ssyncadd.tile.s32 @!p0 $0x1;
	_ =	shalt  }
.Lfunc_end2:
_tile_overlayer_lowered:
.L_overlay_start_2:
0x145: {  	(tag) =	ssettag $0x2  }
0x146: {  	s0 =	rddreg [dreg:$0x0];
	s2 =	stileid.u32  }
0x147: {  	s1 =	rddreg [dreg:$0x1];
	p0 =	sne.s32 s2, $0x0  }
0x148: {  	s3 =	rddreg [dreg:$0x2];
	[bflag:$0x3] =	sbarrier.arrive $0xFFFF;
	s2 =	simm.s32 @!p0 $0x1C11  }
0x149: {  	[timem:s3], [sflag:s2] =	dma.local @!p0 [hbm:s0], s1  }
0x14a: {  	s0 =	simm.s32 @!p0 $0x11  }
0x14b: {  	_ =	swait.ge @!p0 [sflag:s0], s1  }
0x14c: {  	s1 =	ssub.s32 @!p0 $0x0, s1;
	[sflag:s0] =	ssyncset.done @!p0 $0x0  }
0x14d: {  	[sflag:s0] =	ssyncadd.s32 @!p0 s1  }
0x14e: {  	[bflag:$0x3] =	sbarrier.arrive $0xFFFF  }
0x14f: {  	_ =	shalt  }

</sc_bundles>
